<compile_context>
chip_gen: v7x
topology: tpu7x:2x2x1
jax: 0.10.2.dev20260603
libtpu: 0.0.44.dev20260713+nightly
codegen_flags: <defaults>
</compile_context>

<pallas_src>
import functools

import jax
import jax.numpy as jnp
from jax import lax
from jax.experimental import pallas as pl
from jax.experimental.pallas import tpu as pltpu
from jax.experimental.pallas import tpu_sc as plsc

B, N, D = 4, 8192, 1024
BN = 512
NB = N // BN

SEGS = 8
SEG_BINS = N // SEGS
LANES = 16
IDX_CHUNKS = D // LANES
BIN_CHUNKS = SEG_BINS // LANES



def _maxarg_body(x_hbm, vals_ref, inds_ref, b0, b1, s0, s1):
    bufs = (b0, b1)
    sems = (s0, s1)

    def copy(i):
        return pltpu.make_async_copy(
            x_hbm.at[:, pl.ds(i * BN, BN), :], bufs[i % 2], sems[i % 2])

    copy(0).start()
    for i in range(NB):
        if i + 1 < NB:
            copy(i + 1).start()
        copy(i).wait()
        x = bufs[i % 2][...]
        m = jnp.max(x, axis=1)
        iota = lax.broadcasted_iota(
            jnp.int32, (B, BN, D), 1).astype(jnp.float32)
        locf = jnp.min(jnp.where(x == m[:, None, :], iota, float(BN)), axis=1)
        loc = locf.astype(jnp.int32) + i * BN
        if i == 0:
            vals_ref[...] = m
            inds_ref[...] = loc
        else:
            cur = vals_ref[...]
            take = m > cur
            vals_ref[...] = jnp.where(take, m, cur)
            inds_ref[...] = jnp.where(take, loc, inds_ref[...])


def _maxarg(x, interpret=False):
    return pl.pallas_call(
        _maxarg_body,
        in_specs=[pl.BlockSpec(memory_space=pl.ANY)],
        out_specs=[
            pl.BlockSpec((B, D), lambda: (0, 0)),
            pl.BlockSpec((B, D), lambda: (0, 0)),
        ],
        out_shape=[
            jax.ShapeDtypeStruct((B, D), jnp.float32),
            jax.ShapeDtypeStruct((B, D), jnp.int32),
        ],
        scratch_shapes=[
            pltpu.VMEM((B, BN, D), jnp.float32),
            pltpu.VMEM((B, BN, D), jnp.float32),
            pltpu.SemaphoreType.DMA,
            pltpu.SemaphoreType.DMA,
        ],
        interpret=interpret,
    )(x)



def _hist_body(inds_hbm, mask_hbm, scores_hbm, idx_v, mask_v, hist_v):
    c = lax.axis_index("c")
    s = lax.axis_index("s")
    b = c * 2 + s // 8
    seg = s % 8
    lo = seg * SEG_BINS

    pltpu.sync_copy(inds_hbm.at[b], idx_v)
    pltpu.sync_copy(mask_hbm.at[b], mask_v)

    def zero_body(j, carry):
        hist_v[pl.ds(j * LANES, LANES)] = jnp.zeros((LANES,), jnp.float32)
        return carry

    lax.fori_loop(0, BIN_CHUNKS, zero_body, 0)

    def scat_body(j, carry):
        idx = idx_v[pl.ds(j * LANES, LANES)]
        rel = idx - lo
        inr = (rel >= 0) & (rel < SEG_BINS)
        relc = jnp.clip(rel, 0, SEG_BINS - 1)
        counts, last = plsc.scan_count(relc, mask=inr)
        plsc.addupdate_scatter(hist_v, [relc], counts.astype(jnp.float32),
                               mask=last & inr)
        return carry

    lax.fori_loop(0, IDX_CHUNKS, scat_body, 0)

    def tot_body(j, tacc):
        idx = idx_v[pl.ds(j * LANES, LANES)]
        return tacc + plsc.load_gather(mask_v, [idx])

    tot = lax.fori_loop(0, IDX_CHUNKS, tot_body,
                        jnp.zeros((LANES,), jnp.int32))
    recip_v = jnp.full((LANES,), 1.0, jnp.float32) / jnp.full(
        (LANES,), jnp.sum(tot).astype(jnp.float32), jnp.float32)

    def norm_body(j, carry):
        sl = pl.ds(j * LANES, LANES)
        mk = mask_v[pl.ds(lo + j * LANES, LANES)]
        hist_v[sl] = jnp.where(mk == 0, 0.0, hist_v[sl]) * recip_v
        return carry

    lax.fori_loop(0, BIN_CHUNKS, norm_body, 0)

    pltpu.sync_copy(hist_v, scores_hbm.at[b, pl.ds(lo, SEG_BINS)])


@functools.cache
def _hist():
    return pl.kernel(
        _hist_body,
        mesh=plsc.VectorSubcoreMesh(core_axis_name="c", subcore_axis_name="s"),
        out_type=jax.ShapeDtypeStruct((B, N), jnp.float32),
        compiler_params=pltpu.CompilerParams(needs_layout_passes=False),
        scratch_types=[
            pltpu.VMEM((D,), jnp.int32),
            pltpu.VMEM((N,), jnp.int32),
            pltpu.VMEM((SEG_BINS,), jnp.float32),
        ],
    )



@jax.jit
def kernel(token_embeddings, attention_mask):
    pooled_vals, pooled_inds = _maxarg(token_embeddings)
    scores = _hist()(pooled_inds, attention_mask)
    return scores, pooled_vals

# --- scband reference (transcript-rebuilt; emitter-appended) ---
"""Pipeline reference for scband-max-pooling-layer-40441412059444 (READ-ONLY COPY).

The authoritative reference and input builder live on the scoring server;
editing this copy changes nothing except your own understanding.
"""

import jax, jax.numpy as jnp
import numpy as np


def setup_inputs(seed: int = 0) -> dict:
    key = jax.random.key(seed)
    k1 = jax.random.fold_in(key, 1)
    token_embeddings = jax.random.normal(k1, (4, 8192, 1024), dtype=jnp.float32)
    attention_mask = jnp.ones((4, 8192), dtype=jnp.int32)
    return {"token_embeddings": token_embeddings, "attention_mask": attention_mask}


def reference(token_embeddings, attention_mask):
    # Faithful translation of MaxPoolingLayer.forward with mask_special_tokens=False
    x = token_embeddings
    B, N, D = x.shape
    # torch.max(axis=1) -> values and (first-occurrence) indices
    pooled_vals = jnp.max(x, axis=1)            # [B, D]
    pooled_inds = jnp.argmax(x, axis=1)         # [B, D] int
    # offset indices per batch row and histogram how often each token wins
    ids = pooled_inds + (N * jnp.arange(B))[:, None]
    unnorm_scores = jnp.bincount(ids.ravel(), length=N * B).reshape(-1, N)
    # masked_fill((1 - attention_mask).bool(), 0)
    mask_bool = (1.0 - attention_mask).astype(bool)
    masked_unnorm_scores = jnp.where(mask_bool, 0, unnorm_scores)
    scores = masked_unnorm_scores / masked_unnorm_scores.sum(axis=-1, keepdims=True)
    return scores, pooled_vals

if __name__ == "__main__":
    import jax
    _d = setup_inputs()
    print(jax.jit(kernel)(*tuple(_d.values())))

</pallas_src>

<mosaic_0001>
#map = affine_map<(d0, d1) -> (0, 0)>
module attributes {stable_mosaic.version = 14 : i64} {
  func.func @_hist_body(%arg0: i32, %arg1: i32, %arg2: memref<4x1024xi32, #tpu.memory_space<hbm>>, %arg3: memref<4x8192xi32, #tpu.memory_space<hbm>>, %arg4: memref<4x8192xf32, #tpu.memory_space<hbm>>, %arg5: memref<1024xi32, #tpu.memory_space<vmem>>, %arg6: memref<8192xi32, #tpu.memory_space<vmem>>, %arg7: memref<1024xf32, #tpu.memory_space<vmem>>) attributes {dimension_semantics = [#tpu.dimension_semantics<core_parallel>, #tpu.dimension_semantics<subcore_parallel>], iteration_bounds = array<i64: 2, 16>, scalar_prefetch = 0 : i64, scratch_operands = 3 : i64, tpu.core_type = #tpu.core_type<sc_vector_subcore>, window_params = [{transform_indices = #map}, {transform_indices = #map}, {transform_indices = #map}]} {
    %mul3A = arith.constant 2 : i32
    %mul3A_0 = arith.muli %arg0, %mul3A : i32
    %jit3A = arith.constant 8 : i32
    %div3A = arith.divsi %arg1, %jit3A : i32
    %sign3A = arith.constant 0 : i32
    %sign3A_1 = arith.cmpi sgt, %arg1, %sign3A : i32
    %sign3A_2 = arith.extui %sign3A_1 : i1 to i32
    %sign3A_3 = arith.constant 0 : i32
    %sign3A_4 = arith.cmpi slt, %arg1, %sign3A_3 : i32
    %sign3A_5 = arith.extui %sign3A_4 : i1 to i32
    %sign3A_6 = arith.subi %sign3A_2, %sign3A_5 : i32
    %sign3A_7 = arith.constant 0 : i32
    %sign3A_8 = arith.cmpi sgt, %jit3A, %sign3A_7 : i32
    %sign3A_9 = arith.extui %sign3A_8 : i1 to i32
    %sign3A_10 = arith.constant 0 : i32
    %sign3A_11 = arith.cmpi slt, %jit3A, %sign3A_10 : i32
    %sign3A_12 = arith.extui %sign3A_11 : i1 to i32
    %sign3A_13 = arith.subi %sign3A_9, %sign3A_12 : i32
    %ne3A = arith.cmpi ne, %sign3A_6, %sign3A_13 : i32
    %rem3A = arith.remsi %arg1, %jit3A : i32
    %ne3A_14 = arith.constant 0 : i32
    %ne3A_15 = arith.cmpi ne, %rem3A, %ne3A_14 : i32
    %and3A = arith.andi %ne3A, %ne3A_15 : i1
    %sub3A = arith.constant 1 : i32
    %sub3A_16 = arith.subi %div3A, %sub3A : i32
    %select_n3A = arith.select %and3A, %sub3A_16, %div3A : i32
    %add3A = arith.addi %mul3A_0, %select_n3A : i32
    %jit3A_17 = arith.constant 8 : i32
    %eq3A = arith.constant 0 : i32
    %eq3A_18 = arith.cmpi eq, %jit3A_17, %eq3A : i32
    %jit3A_19 = arith.constant 1 : i32
    %select_n3A_20 = arith.select %eq3A_18, %jit3A_19, %jit3A_17 : i32
    %rem3A_21 = arith.remsi %arg1, %select_n3A_20 : i32
    %ne3A_22 = arith.constant 0 : i32
    %ne3A_23 = arith.cmpi ne, %rem3A_21, %ne3A_22 : i32
    %lt3A = arith.constant 0 : i32
    %lt3A_24 = arith.cmpi slt, %rem3A_21, %lt3A : i32
    %lt3A_25 = arith.constant 0 : i32
    %lt3A_26 = arith.cmpi slt, %select_n3A_20, %lt3A_25 : i32
    %ne3A_27 = arith.xori %lt3A_24, %lt3A_26 : i1
    %and3A_28 = arith.andi %ne3A_27, %ne3A_23 : i1
    %add3A_29 = arith.addi %rem3A_21, %select_n3A_20 : i32
    %select_n3A_30 = arith.select %and3A_28, %add3A_29, %rem3A_21 : i32
    %mul3A_31 = arith.constant 1024 : i32
    %mul3A_32 = arith.muli %select_n3A_30, %mul3A_31 : i32
    "tpu.region"() ({
      %run_scoped3A = tpu.sem_alloc : memref<!tpu.dma_semaphore, #tpu.memory_space<semaphore_mem>>
      %dma_start3A = arith.constant 0 : i32
      %dma_start3A_64 = tpu.memref_slice %arg2[%add3A, %dma_start3A] : memref<4x1024xi32, #tpu.memory_space<hbm>> -> memref<1x1024xi32, #tpu.memory_space<hbm>>
      %dma_start3A_65 = tpu.memref_squeeze %dma_start3A_64 : memref<1x1024xi32, #tpu.memory_space<hbm>> -> memref<1024xi32, #tpu.memory_space<hbm>>
      %dma_start3A_66 = arith.constant 0 : i32
      %dma_start3A_67 = tpu.memref_slice %arg2[%add3A, %dma_start3A_66] : memref<4x1024xi32, #tpu.memory_space<hbm>> -> memref<1x1024xi32, #tpu.memory_space<hbm>>
      %dma_start3A_68 = tpu.memref_squeeze %dma_start3A_67 : memref<1x1024xi32, #tpu.memory_space<hbm>> -> memref<1024xi32, #tpu.memory_space<hbm>>
      tpu.enqueue_dma source(%dma_start3A_68 : memref<1024xi32, #tpu.memory_space<hbm>>) target(%arg5 : memref<1024xi32, #tpu.memory_space<vmem>>) target_semaphore(%run_scoped3A : memref<!tpu.dma_semaphore, #tpu.memory_space<semaphore_mem>>)
      %dma_wait3A = arith.constant 0 : i32
      %dma_wait3A_69 = tpu.memref_slice %arg2[%add3A, %dma_wait3A] : memref<4x1024xi32, #tpu.memory_space<hbm>> -> memref<1x1024xi32, #tpu.memory_space<hbm>>
      %dma_wait3A_70 = tpu.memref_squeeze %dma_wait3A_69 : memref<1x1024xi32, #tpu.memory_space<hbm>> -> memref<1024xi32, #tpu.memory_space<hbm>>
      %dma_wait3A_71 = arith.constant 0 : i32
      %dma_wait3A_72 = tpu.memref_slice %arg2[%add3A, %dma_wait3A_71] : memref<4x1024xi32, #tpu.memory_space<hbm>> -> memref<1x1024xi32, #tpu.memory_space<hbm>>
      %dma_wait3A_73 = tpu.memref_squeeze %dma_wait3A_72 : memref<1x1024xi32, #tpu.memory_space<hbm>> -> memref<1024xi32, #tpu.memory_space<hbm>>
      tpu.wait_dma2 semaphore(%run_scoped3A : memref<!tpu.dma_semaphore, #tpu.memory_space<semaphore_mem>>) src(%dma_wait3A_73 : memref<1024xi32, #tpu.memory_space<hbm>>) dst(%arg5 : memref<1024xi32, #tpu.memory_space<vmem>>)
      tpu.yield
    }) : () -> ()
    "tpu.region"() ({
      %run_scoped3A = tpu.sem_alloc : memref<!tpu.dma_semaphore, #tpu.memory_space<semaphore_mem>>
      %dma_start3A = arith.constant 0 : i32
      %dma_start3A_64 = tpu.memref_slice %arg3[%add3A, %dma_start3A] : memref<4x8192xi32, #tpu.memory_space<hbm>> -> memref<1x8192xi32, #tpu.memory_space<hbm>>
      %dma_start3A_65 = tpu.memref_squeeze %dma_start3A_64 : memref<1x8192xi32, #tpu.memory_space<hbm>> -> memref<8192xi32, #tpu.memory_space<hbm>>
      %dma_start3A_66 = arith.constant 0 : i32
      %dma_start3A_67 = tpu.memref_slice %arg3[%add3A, %dma_start3A_66] : memref<4x8192xi32, #tpu.memory_space<hbm>> -> memref<1x8192xi32, #tpu.memory_space<hbm>>
      %dma_start3A_68 = tpu.memref_squeeze %dma_start3A_67 : memref<1x8192xi32, #tpu.memory_space<hbm>> -> memref<8192xi32, #tpu.memory_space<hbm>>
      tpu.enqueue_dma source(%dma_start3A_68 : memref<8192xi32, #tpu.memory_space<hbm>>) target(%arg6 : memref<8192xi32, #tpu.memory_space<vmem>>) target_semaphore(%run_scoped3A : memref<!tpu.dma_semaphore, #tpu.memory_space<semaphore_mem>>)
      %dma_wait3A = arith.constant 0 : i32
      %dma_wait3A_69 = tpu.memref_slice %arg3[%add3A, %dma_wait3A] : memref<4x8192xi32, #tpu.memory_space<hbm>> -> memref<1x8192xi32, #tpu.memory_space<hbm>>
      %dma_wait3A_70 = tpu.memref_squeeze %dma_wait3A_69 : memref<1x8192xi32, #tpu.memory_space<hbm>> -> memref<8192xi32, #tpu.memory_space<hbm>>
      %dma_wait3A_71 = arith.constant 0 : i32
      %dma_wait3A_72 = tpu.memref_slice %arg3[%add3A, %dma_wait3A_71] : memref<4x8192xi32, #tpu.memory_space<hbm>> -> memref<1x8192xi32, #tpu.memory_space<hbm>>
      %dma_wait3A_73 = tpu.memref_squeeze %dma_wait3A_72 : memref<1x8192xi32, #tpu.memory_space<hbm>> -> memref<8192xi32, #tpu.memory_space<hbm>>
      tpu.wait_dma2 semaphore(%run_scoped3A : memref<!tpu.dma_semaphore, #tpu.memory_space<semaphore_mem>>) src(%dma_wait3A_73 : memref<8192xi32, #tpu.memory_space<hbm>>) dst(%arg6 : memref<8192xi32, #tpu.memory_space<vmem>>)
      tpu.yield
    }) : () -> ()
    %scan3A = arith.constant 0 : i32
    %scan3A_33 = arith.constant 0 : i32
    %scan3A_34 = arith.constant 64 : i32
    %scan3A_35 = arith.addi %scan3A_33, %scan3A_34 : i32
    %scan3A_36 = arith.constant 1 : i32
    scf.for %scan3A_64 = %scan3A_33 to %scan3A_35 step %scan3A_36  : i32 {
      %broadcast_in_dim3A_65 = arith.constant 0.000000e+00 : f32
      %broadcast_in_dim3A_66 = vector.broadcast %broadcast_in_dim3A_65 : f32 to vector<16xf32>
      %mul3A_67 = arith.constant 16 : i32
      %mul3A_68 = arith.muli %scan3A_64, %mul3A_67 : i32
      %swap3A = arith.index_cast %mul3A_68 : i32 to index
      %swap3A_69 = tpu.vector_load %arg7[%swap3A] {strides = array<i32>} : memref<1024xf32, #tpu.memory_space<vmem>>, vector<16xf32>,
      tpu.vector_store %arg7[%swap3A], %broadcast_in_dim3A_66 {strides = array<i32>} : memref<1024xf32, #tpu.memory_space<vmem>>, vector<16xf32>,
    }
    %scan3A_37 = arith.constant 64 : i32
    %scan3A_38 = arith.constant 0 : i32
    %scan3A_39 = arith.constant 0 : i32
    %scan3A_40 = arith.constant 64 : i32
    %scan3A_41 = arith.addi %scan3A_39, %scan3A_40 : i32
    %scan3A_42 = arith.constant 1 : i32
    scf.for %scan3A_64 = %scan3A_39 to %scan3A_41 step %scan3A_42  : i32 {
      %mul3A_65 = arith.constant 16 : i32
      %mul3A_66 = arith.muli %scan3A_64, %mul3A_65 : i32
      %get3A = arith.index_cast %mul3A_66 : i32 to index
      %get3A_67 = tpu.vector_load %arg5[%get3A] {strides = array<i32>} : memref<1024xi32, #tpu.memory_space<vmem>>, vector<16xi32>,
      %sub3A_68 = vector.broadcast %mul3A_32 : i32 to vector<16xi32>
      %sub3A_69 = arith.subi %get3A_67, %sub3A_68 : vector<16xi32>
      %ge3A = arith.constant 0 : i32
      %ge3A_70 = vector.broadcast %ge3A : i32 to vector<16xi32>
      %ge3A_71 = arith.cmpi sge, %sub3A_69, %ge3A_70 : vector<16xi32>
      %lt3A_72 = arith.constant 1024 : i32
      %lt3A_73 = vector.broadcast %lt3A_72 : i32 to vector<16xi32>
      %lt3A_74 = arith.cmpi slt, %sub3A_69, %lt3A_73 : vector<16xi32>
      %and3A_75 = arith.andi %ge3A_71, %lt3A_74 : vector<16xi1>
      %jit3A_76 = arith.constant 0 : i32
      %jit3A_77 = arith.constant 1023 : i32
      %max3A = vector.broadcast %jit3A_76 : i32 to vector<16xi32>
      %max3A_78 = arith.maxsi %max3A, %sub3A_69 : vector<16xi32>
      %min3A = vector.broadcast %jit3A_77 : i32 to vector<16xi32>
      %min3A_79 = arith.minsi %min3A, %max3A_78 : vector<16xi32>
      %unique3A, %unique3A_80 = tpu.scan_count mask(%and3A_75 : vector<16xi1>) value(%min3A_79 : vector<16xi32>) : vector<16xi1>, vector<16xi32>
      %convert_element_type3A_81 = arith.sitofp %unique3A_80 : vector<16xi32> to vector<16xf32>
      %and3A_82 = arith.andi %unique3A, %and3A_75 : vector<16xi1>
      tpu.vector_store_idx %arg7[%min3A_79], %convert_element_type3A_81 masked %and3A_82 {add = true} : memref<1024xf32, #tpu.memory_space<vmem>>[vector<16xi32>], vector<16xf32>, vector<16xi1>
    }
    %scan3A_43 = arith.constant 64 : i32
    %broadcast_in_dim3A = arith.constant 0 : i32
    %broadcast_in_dim3A_44 = vector.broadcast %broadcast_in_dim3A : i32 to vector<16xi32>
    %scan3A_45 = arith.constant 0 : i32
    %scan3A_46 = arith.constant 64 : i32
    %scan3A_47 = arith.addi %scan3A_45, %scan3A_46 : i32
    %scan3A_48 = arith.constant 1 : i32
    %scan3A_49 = scf.for %scan3A_64 = %scan3A_45 to %scan3A_47 step %scan3A_48 iter_args(%scan3A_65 = %broadcast_in_dim3A_44) -> (vector<16xi32>)  : i32 {
      %mul3A_66 = arith.constant 16 : i32
      %mul3A_67 = arith.muli %scan3A_64, %mul3A_66 : i32
      %get3A = arith.index_cast %mul3A_67 : i32 to index
      %get3A_68 = tpu.vector_load %arg5[%get3A] {strides = array<i32>} : memref<1024xi32, #tpu.memory_space<vmem>>, vector<16xi32>,
      %gather3A = tpu.vector_load_idx %arg6[%get3A_68] : memref<8192xi32, #tpu.memory_space<vmem>>[vector<16xi32>], vector<16xi32>,
      %add3A_69 = arith.addi %scan3A_65, %gather3A : vector<16xi32>
      scf.yield %add3A_69 : vector<16xi32>
    }
    %scan3A_50 = arith.constant 64 : i32
    %broadcast_in_dim3A_51 = arith.constant 1.000000e+00 : f32
    %broadcast_in_dim3A_52 = vector.broadcast %broadcast_in_dim3A_51 : f32 to vector<16xf32>
    %reduce_sum3A = arith.constant true
    %reduce_sum3A_53 = vector.broadcast %reduce_sum3A : i1 to vector<16xi1>
    %reduce_sum3A_54 = tpu.scan <sum>, %scan3A_49 masked %reduce_sum3A_53 : vector<16xi32>, vector<16xi1> -> vector<16xi32>
    %reduce_sum3A_55 = vector.extract %reduce_sum3A_54[15] : i32 from vector<16xi32>
    %convert_element_type3A = arith.sitofp %reduce_sum3A_55 : i32 to f32
    %broadcast_in_dim3A_56 = vector.broadcast %convert_element_type3A : f32 to vector<16xf32>
    %div3A_57 = arith.divf %broadcast_in_dim3A_52, %broadcast_in_dim3A_56 : vector<16xf32>
    %scan3A_58 = arith.constant 0 : i32
    %scan3A_59 = arith.constant 0 : i32
    %scan3A_60 = arith.constant 64 : i32
    %scan3A_61 = arith.addi %scan3A_59, %scan3A_60 : i32
    %scan3A_62 = arith.constant 1 : i32
    scf.for %scan3A_64 = %scan3A_59 to %scan3A_61 step %scan3A_62  : i32 {
      %mul3A_65 = arith.constant 16 : i32
      %mul3A_66 = arith.muli %scan3A_64, %mul3A_65 : i32
      %mul3A_67 = arith.constant 16 : i32
      %mul3A_68 = arith.muli %scan3A_64, %mul3A_67 : i32
      %add3A_69 = arith.addi %mul3A_32, %mul3A_68 : i32
      %get3A = arith.index_cast %add3A_69 : i32 to index
      %get3A_70 = tpu.vector_load %arg6[%get3A] {strides = array<i32>} : memref<8192xi32, #tpu.memory_space<vmem>>, vector<16xi32>,
      %eq3A_71 = arith.constant 0 : i32
      %eq3A_72 = vector.broadcast %eq3A_71 : i32 to vector<16xi32>
      %eq3A_73 = arith.cmpi eq, %get3A_70, %eq3A_72 : vector<16xi32>
      %get3A_74 = arith.index_cast %mul3A_66 : i32 to index
      %get3A_75 = tpu.vector_load %arg7[%get3A_74] {strides = array<i32>} : memref<1024xf32, #tpu.memory_space<vmem>>, vector<16xf32>,
      %jit3A_76 = arith.constant 0.000000e+00 : f32
      %broadcast_in_dim3A_77 = vector.broadcast %jit3A_76 : f32 to vector<16xf32>
      %select_n3A_78 = arith.select %eq3A_73, %broadcast_in_dim3A_77, %get3A_75 : vector<16xi1>, vector<16xf32>
      %mul3A_79 = arith.mulf %select_n3A_78, %div3A_57 : vector<16xf32>
      %swap3A = arith.index_cast %mul3A_66 : i32 to index
      %swap3A_80 = tpu.vector_load %arg7[%swap3A] {strides = array<i32>} : memref<1024xf32, #tpu.memory_space<vmem>>, vector<16xf32>,
      tpu.vector_store %arg7[%swap3A], %mul3A_79 {strides = array<i32>} : memref<1024xf32, #tpu.memory_space<vmem>>, vector<16xf32>,
    }
    %scan3A_63 = arith.constant 64 : i32
    "tpu.region"() ({
      %run_scoped3A = tpu.sem_alloc : memref<!tpu.dma_semaphore, #tpu.memory_space<semaphore_mem>>
      %dma_start3A = tpu.memref_slice %arg4[%add3A, %mul3A_32] : memref<4x8192xf32, #tpu.memory_space<hbm>> -> memref<1x1024xf32, #tpu.memory_space<hbm>>
      %dma_start3A_64 = tpu.memref_squeeze %dma_start3A : memref<1x1024xf32, #tpu.memory_space<hbm>> -> memref<1024xf32, #tpu.memory_space<hbm>>
      %dma_start3A_65 = tpu.memref_slice %arg4[%add3A, %mul3A_32] : memref<4x8192xf32, #tpu.memory_space<hbm>> -> memref<1x1024xf32, #tpu.memory_space<hbm>>
      %dma_start3A_66 = tpu.memref_squeeze %dma_start3A_65 : memref<1x1024xf32, #tpu.memory_space<hbm>> -> memref<1024xf32, #tpu.memory_space<hbm>>
      tpu.enqueue_dma source(%arg7 : memref<1024xf32, #tpu.memory_space<vmem>>) target(%dma_start3A_66 : memref<1024xf32, #tpu.memory_space<hbm>>) target_semaphore(%run_scoped3A : memref<!tpu.dma_semaphore, #tpu.memory_space<semaphore_mem>>)
      %dma_wait3A = tpu.memref_slice %arg4[%add3A, %mul3A_32] : memref<4x8192xf32, #tpu.memory_space<hbm>> -> memref<1x1024xf32, #tpu.memory_space<hbm>>
      %dma_wait3A_67 = tpu.memref_squeeze %dma_wait3A : memref<1x1024xf32, #tpu.memory_space<hbm>> -> memref<1024xf32, #tpu.memory_space<hbm>>
      %dma_wait3A_68 = tpu.memref_slice %arg4[%add3A, %mul3A_32] : memref<4x8192xf32, #tpu.memory_space<hbm>> -> memref<1x1024xf32, #tpu.memory_space<hbm>>
      %dma_wait3A_69 = tpu.memref_squeeze %dma_wait3A_68 : memref<1x1024xf32, #tpu.memory_space<hbm>> -> memref<1024xf32, #tpu.memory_space<hbm>>
      tpu.wait_dma2 semaphore(%run_scoped3A : memref<!tpu.dma_semaphore, #tpu.memory_space<semaphore_mem>>) src(%arg7 : memref<1024xf32, #tpu.memory_space<vmem>>) dst(%dma_wait3A_69 : memref<1024xf32, #tpu.memory_space<hbm>>)
      tpu.yield
    }) : () -> ()
    return
  }
}

module attributes {stable_mosaic.version = 14 : i64} {
  func.func @_maxarg_body(%arg0: memref<4x8192x1024xf32, #tpu.memory_space<any>>, %arg1: memref<4x1024xf32, #tpu.memory_space<vmem>>, %arg2: memref<4x1024xi32, #tpu.memory_space<vmem>>, %arg3: memref<4x512x1024xf32, #tpu.memory_space<vmem>>, %arg4: memref<4x512x1024xf32, #tpu.memory_space<vmem>>, %arg5: memref<!tpu.dma_semaphore, #tpu.memory_space<semaphore_mem>>, %arg6: memref<!tpu.dma_semaphore, #tpu.memory_space<semaphore_mem>>) attributes {dimension_semantics = [], scalar_prefetch = 0 : i64, scratch_operands = 4 : i64, tpu.core_type = #tpu.core_type<tc>} {
    %dma_start3A = arith.constant 0 : i32
    %dma_start3A_0 = arith.constant 0 : i32
    %dma_start3A_1 = arith.constant 0 : i32
    %dma_start3A_2 = tpu.memref_slice %arg0[%dma_start3A, %dma_start3A_0, %dma_start3A_1] : memref<4x8192x1024xf32, #tpu.memory_space<any>> -> memref<4x512x1024xf32, #tpu.memory_space<any>>
    tpu.enqueue_dma source(%dma_start3A_2 : memref<4x512x1024xf32, #tpu.memory_space<any>>) target(%arg3 : memref<4x512x1024xf32, #tpu.memory_space<vmem>>) target_semaphore(%arg5 : memref<!tpu.dma_semaphore, #tpu.memory_space<semaphore_mem>>)
    %dma_start3A_3 = arith.constant 0 : i32
    %dma_start3A_4 = arith.constant 512 : i32
    %dma_start3A_5 = arith.constant 0 : i32
    %dma_start3A_6 = tpu.memref_slice %arg0[%dma_start3A_3, %dma_start3A_4, %dma_start3A_5] : memref<4x8192x1024xf32, #tpu.memory_space<any>> -> memref<4x512x1024xf32, #tpu.memory_space<any>>
    tpu.enqueue_dma source(%dma_start3A_6 : memref<4x512x1024xf32, #tpu.memory_space<any>>) target(%arg4 : memref<4x512x1024xf32, #tpu.memory_space<vmem>>) target_semaphore(%arg6 : memref<!tpu.dma_semaphore, #tpu.memory_space<semaphore_mem>>)
    %dma_wait3A = arith.constant 0 : i32
    %dma_wait3A_7 = arith.constant 0 : i32
    %dma_wait3A_8 = arith.constant 0 : i32
    %dma_wait3A_9 = tpu.memref_slice %arg0[%dma_wait3A, %dma_wait3A_7, %dma_wait3A_8] : memref<4x8192x1024xf32, #tpu.memory_space<any>> -> memref<4x512x1024xf32, #tpu.memory_space<any>>
    tpu.wait_dma2 semaphore(%arg5 : memref<!tpu.dma_semaphore, #tpu.memory_space<semaphore_mem>>) src(%dma_wait3A_9 : memref<4x512x1024xf32, #tpu.memory_space<any>>) dst(%arg3 : memref<4x512x1024xf32, #tpu.memory_space<vmem>>)
    %get3A = arith.constant 0 : index
    %get3A_10 = arith.constant 0 : index
    %get3A_11 = arith.constant 0 : index
    %get3A_12 = vector.load %arg3[%get3A, %get3A_10, %get3A_11] : memref<4x512x1024xf32, #tpu.memory_space<vmem>>, vector<4x512x1024xf32>
    %reduce_max3A = arith.constant dense<0xFF800000> : vector<4x1024xf32>
    %reduce_max3A_13 = vector.multi_reduction <maximumf>, %get3A_12, %reduce_max3A [1] : vector<4x512x1024xf32> to vector<4x1024xf32>
    %iota3A = tpu.iota {dimensions = array<i32: 1>} : vector<4x512x1024xi32>
    %convert_element_type3A = arith.sitofp %iota3A : vector<4x512x1024xi32> to vector<4x512x1024xf32>
    %broadcast_in_dim3A = vector.shape_cast %reduce_max3A_13 : vector<4x1024xf32> to vector<4x1x1024xf32>
    %eq3A = vector.broadcast %broadcast_in_dim3A : vector<4x1x1024xf32> to vector<4x512x1024xf32>
    %eq3A_14 = arith.cmpf oeq, %get3A_12, %eq3A : vector<4x512x1024xf32>
    %jit3A = arith.constant 5.120000e+02 : f32
    %broadcast_in_dim3A_15 = vector.broadcast %jit3A : f32 to vector<4x512x1024xf32>
    %select_n3A = arith.select %eq3A_14, %convert_element_type3A, %broadcast_in_dim3A_15 : vector<4x512x1024xi1>, vector<4x512x1024xf32>
    %reduce_min3A = arith.constant dense<0x7F800000> : vector<4x1024xf32>
    %reduce_min3A_16 = vector.multi_reduction <minimumf>, %select_n3A, %reduce_min3A [1] : vector<4x512x1024xf32> to vector<4x1024xf32>
    %convert_element_type3A_17 = arith.fptosi %reduce_min3A_16 : vector<4x1024xf32> to vector<4x1024xi32>
    %add3A = arith.constant 0 : i32
    %add3A_18 = vector.broadcast %add3A : i32 to vector<4x1024xi32>
    %add3A_19 = arith.addi %convert_element_type3A_17, %add3A_18 : vector<4x1024xi32>
    %swap3A = arith.constant 0 : index
    %swap3A_20 = arith.constant 0 : index
    %swap3A_21 = vector.load %arg1[%swap3A, %swap3A_20] : memref<4x1024xf32, #tpu.memory_space<vmem>>, vector<4x1024xf32>
    tpu.vector_store %arg1[%swap3A, %swap3A_20], %reduce_max3A_13 {strides = array<i32>} : memref<4x1024xf32, #tpu.memory_space<vmem>>, vector<4x1024xf32>,
    %swap3A_22 = arith.constant 0 : index
    %swap3A_23 = arith.constant 0 : index
    %swap3A_24 = vector.load %arg2[%swap3A_22, %swap3A_23] : memref<4x1024xi32, #tpu.memory_space<vmem>>, vector<4x1024xi32>
    tpu.vector_store %arg2[%swap3A_22, %swap3A_23], %add3A_19 {strides = array<i32>} : memref<4x1024xi32, #tpu.memory_space<vmem>>, vector<4x1024xi32>,
    %dma_start3A_25 = arith.constant 0 : i32
    %dma_start3A_26 = arith.constant 1024 : i32
    %dma_start3A_27 = arith.constant 0 : i32
    %dma_start3A_28 = tpu.memref_slice %arg0[%dma_start3A_25, %dma_start3A_26, %dma_start3A_27] : memref<4x8192x1024xf32, #tpu.memory_space<any>> -> memref<4x512x1024xf32, #tpu.memory_space<any>>
    tpu.enqueue_dma source(%dma_start3A_28 : memref<4x512x1024xf32, #tpu.memory_space<any>>) target(%arg3 : memref<4x512x1024xf32, #tpu.memory_space<vmem>>) target_semaphore(%arg5 : memref<!tpu.dma_semaphore, #tpu.memory_space<semaphore_mem>>)
    %dma_wait3A_29 = arith.constant 0 : i32
    %dma_wait3A_30 = arith.constant 512 : i32
    %dma_wait3A_31 = arith.constant 0 : i32
    %dma_wait3A_32 = tpu.memref_slice %arg0[%dma_wait3A_29, %dma_wait3A_30, %dma_wait3A_31] : memref<4x8192x1024xf32, #tpu.memory_space<any>> -> memref<4x512x1024xf32, #tpu.memory_space<any>>
    tpu.wait_dma2 semaphore(%arg6 : memref<!tpu.dma_semaphore, #tpu.memory_space<semaphore_mem>>) src(%dma_wait3A_32 : memref<4x512x1024xf32, #tpu.memory_space<any>>) dst(%arg4 : memref<4x512x1024xf32, #tpu.memory_space<vmem>>)
    %get3A_33 = arith.constant 0 : index
    %get3A_34 = arith.constant 0 : index
    %get3A_35 = arith.constant 0 : index
    %get3A_36 = vector.load %arg4[%get3A_33, %get3A_34, %get3A_35] : memref<4x512x1024xf32, #tpu.memory_space<vmem>>, vector<4x512x1024xf32>
    %reduce_max3A_37 = arith.constant dense<0xFF800000> : vector<4x1024xf32>
    %reduce_max3A_38 = vector.multi_reduction <maximumf>, %get3A_36, %reduce_max3A_37 [1] : vector<4x512x1024xf32> to vector<4x1024xf32>
    %iota3A_39 = tpu.iota {dimensions = array<i32: 1>} : vector<4x512x1024xi32>
    %convert_element_type3A_40 = arith.sitofp %iota3A_39 : vector<4x512x1024xi32> to vector<4x512x1024xf32>
    %broadcast_in_dim3A_41 = vector.shape_cast %reduce_max3A_38 : vector<4x1024xf32> to vector<4x1x1024xf32>
    %eq3A_42 = vector.broadcast %broadcast_in_dim3A_41 : vector<4x1x1024xf32> to vector<4x512x1024xf32>
    %eq3A_43 = arith.cmpf oeq, %get3A_36, %eq3A_42 : vector<4x512x1024xf32>
    %jit3A_44 = arith.constant 5.120000e+02 : f32
    %broadcast_in_dim3A_45 = vector.broadcast %jit3A_44 : f32 to vector<4x512x1024xf32>
    %select_n3A_46 = arith.select %eq3A_43, %convert_element_type3A_40, %broadcast_in_dim3A_45 : vector<4x512x1024xi1>, vector<4x512x1024xf32>
    %reduce_min3A_47 = arith.constant dense<0x7F800000> : vector<4x1024xf32>
    %reduce_min3A_48 = vector.multi_reduction <minimumf>, %select_n3A_46, %reduce_min3A_47 [1] : vector<4x512x1024xf32> to vector<4x1024xf32>
    %convert_element_type3A_49 = arith.fptosi %reduce_min3A_48 : vector<4x1024xf32> to vector<4x1024xi32>
    %add3A_50 = arith.constant 512 : i32
    %add3A_51 = vector.broadcast %add3A_50 : i32 to vector<4x1024xi32>
    %add3A_52 = arith.addi %convert_element_type3A_49, %add3A_51 : vector<4x1024xi32>
    %get3A_53 = arith.constant 0 : index
    %get3A_54 = arith.constant 0 : index
    %get3A_55 = vector.load %arg1[%get3A_53, %get3A_54] : memref<4x1024xf32, #tpu.memory_space<vmem>>, vector<4x1024xf32>
    %gt3A = arith.cmpf ogt, %reduce_max3A_38, %get3A_55 : vector<4x1024xf32>
    %select_n3A_56 = arith.select %gt3A, %reduce_max3A_38, %get3A_55 : vector<4x1024xi1>, vector<4x1024xf32>
    %swap3A_57 = arith.constant 0 : index
    %swap3A_58 = arith.constant 0 : index
    %swap3A_59 = vector.load %arg1[%swap3A_57, %swap3A_58] : memref<4x1024xf32, #tpu.memory_space<vmem>>, vector<4x1024xf32>
    tpu.vector_store %arg1[%swap3A_57, %swap3A_58], %select_n3A_56 {strides = array<i32>} : memref<4x1024xf32, #tpu.memory_space<vmem>>, vector<4x1024xf32>,
    %get3A_60 = arith.constant 0 : index
    %get3A_61 = arith.constant 0 : index
    %get3A_62 = vector.load %arg2[%get3A_60, %get3A_61] : memref<4x1024xi32, #tpu.memory_space<vmem>>, vector<4x1024xi32>
    %select_n3A_63 = arith.select %gt3A, %add3A_52, %get3A_62 : vector<4x1024xi1>, vector<4x1024xi32>
    %swap3A_64 = arith.constant 0 : index
    %swap3A_65 = arith.constant 0 : index
    %swap3A_66 = vector.load %arg2[%swap3A_64, %swap3A_65] : memref<4x1024xi32, #tpu.memory_space<vmem>>, vector<4x1024xi32>
    tpu.vector_store %arg2[%swap3A_64, %swap3A_65], %select_n3A_63 {strides = array<i32>} : memref<4x1024xi32, #tpu.memory_space<vmem>>, vector<4x1024xi32>,
    %dma_start3A_67 = arith.constant 0 : i32
    %dma_start3A_68 = arith.constant 1536 : i32
    %dma_start3A_69 = arith.constant 0 : i32
    %dma_start3A_70 = tpu.memref_slice %arg0[%dma_start3A_67, %dma_start3A_68, %dma_start3A_69] : memref<4x8192x1024xf32, #tpu.memory_space<any>> -> memref<4x512x1024xf32, #tpu.memory_space<any>>
    tpu.enqueue_dma source(%dma_start3A_70 : memref<4x512x1024xf32, #tpu.memory_space<any>>) target(%arg4 : memref<4x512x1024xf32, #tpu.memory_space<vmem>>) target_semaphore(%arg6 : memref<!tpu.dma_semaphore, #tpu.memory_space<semaphore_mem>>)
    %dma_wait3A_71 = arith.constant 0 : i32
    %dma_wait3A_72 = arith.constant 1024 : i32
    %dma_wait3A_73 = arith.constant 0 : i32
    %dma_wait3A_74 = tpu.memref_slice %arg0[%dma_wait3A_71, %dma_wait3A_72, %dma_wait3A_73] : memref<4x8192x1024xf32, #tpu.memory_space<any>> -> memref<4x512x1024xf32, #tpu.memory_space<any>>
    tpu.wait_dma2 semaphore(%arg5 : memref<!tpu.dma_semaphore, #tpu.memory_space<semaphore_mem>>) src(%dma_wait3A_74 : memref<4x512x1024xf32, #tpu.memory_space<any>>) dst(%arg3 : memref<4x512x1024xf32, #tpu.memory_space<vmem>>)
    %get3A_75 = arith.constant 0 : index
    %get3A_76 = arith.constant 0 : index
    %get3A_77 = arith.constant 0 : index
    %get3A_78 = vector.load %arg3[%get3A_75, %get3A_76, %get3A_77] : memref<4x512x1024xf32, #tpu.memory_space<vmem>>, vector<4x512x1024xf32>
    %reduce_max3A_79 = arith.constant dense<0xFF800000> : vector<4x1024xf32>
    %reduce_max3A_80 = vector.multi_reduction <maximumf>, %get3A_78, %reduce_max3A_79 [1] : vector<4x512x1024xf32> to vector<4x1024xf32>
    %iota3A_81 = tpu.iota {dimensions = array<i32: 1>} : vector<4x512x1024xi32>
    %convert_element_type3A_82 = arith.sitofp %iota3A_81 : vector<4x512x1024xi32> to vector<4x512x1024xf32>
    %broadcast_in_dim3A_83 = vector.shape_cast %reduce_max3A_80 : vector<4x1024xf32> to vector<4x1x1024xf32>
    %eq3A_84 = vector.broadcast %broadcast_in_dim3A_83 : vector<4x1x1024xf32> to vector<4x512x1024xf32>
    %eq3A_85 = arith.cmpf oeq, %get3A_78, %eq3A_84 : vector<4x512x1024xf32>
    %jit3A_86 = arith.constant 5.120000e+02 : f32
    %broadcast_in_dim3A_87 = vector.broadcast %jit3A_86 : f32 to vector<4x512x1024xf32>
    %select_n3A_88 = arith.select %eq3A_85, %convert_element_type3A_82, %broadcast_in_dim3A_87 : vector<4x512x1024xi1>, vector<4x512x1024xf32>
    %reduce_min3A_89 = arith.constant dense<0x7F800000> : vector<4x1024xf32>
    %reduce_min3A_90 = vector.multi_reduction <minimumf>, %select_n3A_88, %reduce_min3A_89 [1] : vector<4x512x1024xf32> to vector<4x1024xf32>
    %convert_element_type3A_91 = arith.fptosi %reduce_min3A_90 : vector<4x1024xf32> to vector<4x1024xi32>
    %add3A_92 = arith.constant 1024 : i32
    %add3A_93 = vector.broadcast %add3A_92 : i32 to vector<4x1024xi32>
    %add3A_94 = arith.addi %convert_element_type3A_91, %add3A_93 : vector<4x1024xi32>
    %get3A_95 = arith.constant 0 : index
    %get3A_96 = arith.constant 0 : index
    %get3A_97 = vector.load %arg1[%get3A_95, %get3A_96] : memref<4x1024xf32, #tpu.memory_space<vmem>>, vector<4x1024xf32>
    %gt3A_98 = arith.cmpf ogt, %reduce_max3A_80, %get3A_97 : vector<4x1024xf32>
    %select_n3A_99 = arith.select %gt3A_98, %reduce_max3A_80, %get3A_97 : vector<4x1024xi1>, vector<4x1024xf32>
    %swap3A_100 = arith.constant 0 : index
    %swap3A_101 = arith.constant 0 : index
    %swap3A_102 = vector.load %arg1[%swap3A_100, %swap3A_101] : memref<4x1024xf32, #tpu.memory_space<vmem>>, vector<4x1024xf32>
    tpu.vector_store %arg1[%swap3A_100, %swap3A_101], %select_n3A_99 {strides = array<i32>} : memref<4x1024xf32, #tpu.memory_space<vmem>>, vector<4x1024xf32>,
    %get3A_103 = arith.constant 0 : index
    %get3A_104 = arith.constant 0 : index
    %get3A_105 = vector.load %arg2[%get3A_103, %get3A_104] : memref<4x1024xi32, #tpu.memory_space<vmem>>, vector<4x1024xi32>
    %select_n3A_106 = arith.select %gt3A_98, %add3A_94, %get3A_105 : vector<4x1024xi1>, vector<4x1024xi32>
    %swap3A_107 = arith.constant 0 : index
    %swap3A_108 = arith.constant 0 : index
    %swap3A_109 = vector.load %arg2[%swap3A_107, %swap3A_108] : memref<4x1024xi32, #tpu.memory_space<vmem>>, vector<4x1024xi32>
    tpu.vector_store %arg2[%swap3A_107, %swap3A_108], %select_n3A_106 {strides = array<i32>} : memref<4x1024xi32, #tpu.memory_space<vmem>>, vector<4x1024xi32>,
    %dma_start3A_110 = arith.constant 0 : i32
    %dma_start3A_111 = arith.constant 2048 : i32
    %dma_start3A_112 = arith.constant 0 : i32
    %dma_start3A_113 = tpu.memref_slice %arg0[%dma_start3A_110, %dma_start3A_111, %dma_start3A_112] : memref<4x8192x1024xf32, #tpu.memory_space<any>> -> memref<4x512x1024xf32, #tpu.memory_space<any>>
    tpu.enqueue_dma source(%dma_start3A_113 : memref<4x512x1024xf32, #tpu.memory_space<any>>) target(%arg3 : memref<4x512x1024xf32, #tpu.memory_space<vmem>>) target_semaphore(%arg5 : memref<!tpu.dma_semaphore, #tpu.memory_space<semaphore_mem>>)
    %dma_wait3A_114 = arith.constant 0 : i32
    %dma_wait3A_115 = arith.constant 1536 : i32
    %dma_wait3A_116 = arith.constant 0 : i32
    %dma_wait3A_117 = tpu.memref_slice %arg0[%dma_wait3A_114, %dma_wait3A_115, %dma_wait3A_116] : memref<4x8192x1024xf32, #tpu.memory_space<any>> -> memref<4x512x1024xf32, #tpu.memory_space<any>>
    tpu.wait_dma2 semaphore(%arg6 : memref<!tpu.dma_semaphore, #tpu.memory_space<semaphore_mem>>) src(%dma_wait3A_117 : memref<4x512x1024xf32, #tpu.memory_space<any>>) dst(%arg4 : memref<4x512x1024xf32, #tpu.memory_space<vmem>>)
    %get3A_118 = arith.constant 0 : index
    %get3A_119 = arith.constant 0 : index
    %get3A_120 = arith.constant 0 : index
    %get3A_121 = vector.load %arg4[%get3A_118, %get3A_119, %get3A_120] : memref<4x512x1024xf32, #tpu.memory_space<vmem>>, vector<4x512x1024xf32>
    %reduce_max3A_122 = arith.constant dense<0xFF800000> : vector<4x1024xf32>
    %reduce_max3A_123 = vector.multi_reduction <maximumf>, %get3A_121, %reduce_max3A_122 [1] : vector<4x512x1024xf32> to vector<4x1024xf32>
    %iota3A_124 = tpu.iota {dimensions = array<i32: 1>} : vector<4x512x1024xi32>
    %convert_element_type3A_125 = arith.sitofp %iota3A_124 : vector<4x512x1024xi32> to vector<4x512x1024xf32>
    %broadcast_in_dim3A_126 = vector.shape_cast %reduce_max3A_123 : vector<4x1024xf32> to vector<4x1x1024xf32>
    %eq3A_127 = vector.broadcast %broadcast_in_dim3A_126 : vector<4x1x1024xf32> to vector<4x512x1024xf32>
    %eq3A_128 = arith.cmpf oeq, %get3A_121, %eq3A_127 : vector<4x512x1024xf32>
    %jit3A_129 = arith.constant 5.120000e+02 : f32
    %broadcast_in_dim3A_130 = vector.broadcast %jit3A_129 : f32 to vector<4x512x1024xf32>
    %select_n3A_131 = arith.select %eq3A_128, %convert_element_type3A_125, %broadcast_in_dim3A_130 : vector<4x512x1024xi1>, vector<4x512x1024xf32>
    %reduce_min3A_132 = arith.constant dense<0x7F800000> : vector<4x1024xf32>
    %reduce_min3A_133 = vector.multi_reduction <minimumf>, %select_n3A_131, %reduce_min3A_132 [1] : vector<4x512x1024xf32> to vector<4x1024xf32>
    %convert_element_type3A_134 = arith.fptosi %reduce_min3A_133 : vector<4x1024xf32> to vector<4x1024xi32>
    %add3A_135 = arith.constant 1536 : i32
    %add3A_136 = vector.broadcast %add3A_135 : i32 to vector<4x1024xi32>
    %add3A_137 = arith.addi %convert_element_type3A_134, %add3A_136 : vector<4x1024xi32>
    %get3A_138 = arith.constant 0 : index
    %get3A_139 = arith.constant 0 : index
    %get3A_140 = vector.load %arg1[%get3A_138, %get3A_139] : memref<4x1024xf32, #tpu.memory_space<vmem>>, vector<4x1024xf32>
    %gt3A_141 = arith.cmpf ogt, %reduce_max3A_123, %get3A_140 : vector<4x1024xf32>
    %select_n3A_142 = arith.select %gt3A_141, %reduce_max3A_123, %get3A_140 : vector<4x1024xi1>, vector<4x1024xf32>
    %swap3A_143 = arith.constant 0 : index
    %swap3A_144 = arith.constant 0 : index
    %swap3A_145 = vector.load %arg1[%swap3A_143, %swap3A_144] : memref<4x1024xf32, #tpu.memory_space<vmem>>, vector<4x1024xf32>
    tpu.vector_store %arg1[%swap3A_143, %swap3A_144], %select_n3A_142 {strides = array<i32>} : memref<4x1024xf32, #tpu.memory_space<vmem>>, vector<4x1024xf32>,
    %get3A_146 = arith.constant 0 : index
    %get3A_147 = arith.constant 0 : index
    %get3A_148 = vector.load %arg2[%get3A_146, %get3A_147] : memref<4x1024xi32, #tpu.memory_space<vmem>>, vector<4x1024xi32>
    %select_n3A_149 = arith.select %gt3A_141, %add3A_137, %get3A_148 : vector<4x1024xi1>, vector<4x1024xi32>
    %swap3A_150 = arith.constant 0 : index
    %swap3A_151 = arith.constant 0 : index
    %swap3A_152 = vector.load %arg2[%swap3A_150, %swap3A_151] : memref<4x1024xi32, #tpu.memory_space<vmem>>, vector<4x1024xi32>
    tpu.vector_store %arg2[%swap3A_150, %swap3A_151], %select_n3A_149 {strides = array<i32>} : memref<4x1024xi32, #tpu.memory_space<vmem>>, vector<4x1024xi32>,
    %dma_start3A_153 = arith.constant 0 : i32
    %dma_start3A_154 = arith.constant 2560 : i32
    %dma_start3A_155 = arith.constant 0 : i32
    %dma_start3A_156 = tpu.memref_slice %arg0[%dma_start3A_153, %dma_start3A_154, %dma_start3A_155] : memref<4x8192x1024xf32, #tpu.memory_space<any>> -> memref<4x512x1024xf32, #tpu.memory_space<any>>
    tpu.enqueue_dma source(%dma_start3A_156 : memref<4x512x1024xf32, #tpu.memory_space<any>>) target(%arg4 : memref<4x512x1024xf32, #tpu.memory_space<vmem>>) target_semaphore(%arg6 : memref<!tpu.dma_semaphore, #tpu.memory_space<semaphore_mem>>)
    %dma_wait3A_157 = arith.constant 0 : i32
    %dma_wait3A_158 = arith.constant 2048 : i32
    %dma_wait3A_159 = arith.constant 0 : i32
    %dma_wait3A_160 = tpu.memref_slice %arg0[%dma_wait3A_157, %dma_wait3A_158, %dma_wait3A_159] : memref<4x8192x1024xf32, #tpu.memory_space<any>> -> memref<4x512x1024xf32, #tpu.memory_space<any>>
    tpu.wait_dma2 semaphore(%arg5 : memref<!tpu.dma_semaphore, #tpu.memory_space<semaphore_mem>>) src(%dma_wait3A_160 : memref<4x512x1024xf32, #tpu.memory_space<any>>) dst(%arg3 : memref<4x512x1024xf32, #tpu.memory_space<vmem>>)
    %get3A_161 = arith.constant 0 : index
    %get3A_162 = arith.constant 0 : index
    %get3A_163 = arith.constant 0 : index
    %get3A_164 = vector.load %arg3[%get3A_161, %get3A_162, %get3A_163] : memref<4x512x1024xf32, #tpu.memory_space<vmem>>, vector<4x512x1024xf32>
    %reduce_max3A_165 = arith.constant dense<0xFF800000> : vector<4x1024xf32>
    %reduce_max3A_166 = vector.multi_reduction <maximumf>, %get3A_164, %reduce_max3A_165 [1] : vector<4x512x1024xf32> to vector<4x1024xf32>
    %iota3A_167 = tpu.iota {dimensions = array<i32: 1>} : vector<4x512x1024xi32>
    %convert_element_type3A_168 = arith.sitofp %iota3A_167 : vector<4x512x1024xi32> to vector<4x512x1024xf32>
    %broadcast_in_dim3A_169 = vector.shape_cast %reduce_max3A_166 : vector<4x1024xf32> to vector<4x1x1024xf32>
    %eq3A_170 = vector.broadcast %broadcast_in_dim3A_169 : vector<4x1x1024xf32> to vector<4x512x1024xf32>
    %eq3A_171 = arith.cmpf oeq, %get3A_164, %eq3A_170 : vector<4x512x1024xf32>
    %jit3A_172 = arith.constant 5.120000e+02 : f32
    %broadcast_in_dim3A_173 = vector.broadcast %jit3A_172 : f32 to vector<4x512x1024xf32>
    %select_n3A_174 = arith.select %eq3A_171, %convert_element_type3A_168, %broadcast_in_dim3A_173 : vector<4x512x1024xi1>, vector<4x512x1024xf32>
    %reduce_min3A_175 = arith.constant dense<0x7F800000> : vector<4x1024xf32>
    %reduce_min3A_176 = vector.multi_reduction <minimumf>, %select_n3A_174, %reduce_min3A_175 [1] : vector<4x512x1024xf32> to vector<4x1024xf32>
    %convert_element_type3A_177 = arith.fptosi %reduce_min3A_176 : vector<4x1024xf32> to vector<4x1024xi32>
    %add3A_178 = arith.constant 2048 : i32
    %add3A_179 = vector.broadcast %add3A_178 : i32 to vector<4x1024xi32>
    %add3A_180 = arith.addi %convert_element_type3A_177, %add3A_179 : vector<4x1024xi32>
    %get3A_181 = arith.constant 0 : index
    %get3A_182 = arith.constant 0 : index
    %get3A_183 = vector.load %arg1[%get3A_181, %get3A_182] : memref<4x1024xf32, #tpu.memory_space<vmem>>, vector<4x1024xf32>
    %gt3A_184 = arith.cmpf ogt, %reduce_max3A_166, %get3A_183 : vector<4x1024xf32>
    %select_n3A_185 = arith.select %gt3A_184, %reduce_max3A_166, %get3A_183 : vector<4x1024xi1>, vector<4x1024xf32>
    %swap3A_186 = arith.constant 0 : index
    %swap3A_187 = arith.constant 0 : index
    %swap3A_188 = vector.load %arg1[%swap3A_186, %swap3A_187] : memref<4x1024xf32, #tpu.memory_space<vmem>>, vector<4x1024xf32>
    tpu.vector_store %arg1[%swap3A_186, %swap3A_187], %select_n3A_185 {strides = array<i32>} : memref<4x1024xf32, #tpu.memory_space<vmem>>, vector<4x1024xf32>,
    %get3A_189 = arith.constant 0 : index
    %get3A_190 = arith.constant 0 : index
    %get3A_191 = vector.load %arg2[%get3A_189, %get3A_190] : memref<4x1024xi32, #tpu.memory_space<vmem>>, vector<4x1024xi32>
    %select_n3A_192 = arith.select %gt3A_184, %add3A_180, %get3A_191 : vector<4x1024xi1>, vector<4x1024xi32>
    %swap3A_193 = arith.constant 0 : index
    %swap3A_194 = arith.constant 0 : index
    %swap3A_195 = vector.load %arg2[%swap3A_193, %swap3A_194] : memref<4x1024xi32, #tpu.memory_space<vmem>>, vector<4x1024xi32>
    tpu.vector_store %arg2[%swap3A_193, %swap3A_194], %select_n3A_192 {strides = array<i32>} : memref<4x1024xi32, #tpu.memory_space<vmem>>, vector<4x1024xi32>,
    %dma_start3A_196 = arith.constant 0 : i32
    %dma_start3A_197 = arith.constant 3072 : i32
    %dma_start3A_198 = arith.constant 0 : i32
    %dma_start3A_199 = tpu.memref_slice %arg0[%dma_start3A_196, %dma_start3A_197, %dma_start3A_198] : memref<4x8192x1024xf32, #tpu.memory_space<any>> -> memref<4x512x1024xf32, #tpu.memory_space<any>>
    tpu.enqueue_dma source(%dma_start3A_199 : memref<4x512x1024xf32, #tpu.memory_space<any>>) target(%arg3 : memref<4x512x1024xf32, #tpu.memory_space<vmem>>) target_semaphore(%arg5 : memref<!tpu.dma_semaphore, #tpu.memory_space<semaphore_mem>>)
    %dma_wait3A_200 = arith.constant 0 : i32
    %dma_wait3A_201 = arith.constant 2560 : i32
    %dma_wait3A_202 = arith.constant 0 : i32
    %dma_wait3A_203 = tpu.memref_slice %arg0[%dma_wait3A_200, %dma_wait3A_201, %dma_wait3A_202] : memref<4x8192x1024xf32, #tpu.memory_space<any>> -> memref<4x512x1024xf32, #tpu.memory_space<any>>
    tpu.wait_dma2 semaphore(%arg6 : memref<!tpu.dma_semaphore, #tpu.memory_space<semaphore_mem>>) src(%dma_wait3A_203 : memref<4x512x1024xf32, #tpu.memory_space<any>>) dst(%arg4 : memref<4x512x1024xf32, #tpu.memory_space<vmem>>)
    %get3A_204 = arith.constant 0 : index
    %get3A_205 = arith.constant 0 : index
    %get3A_206 = arith.constant 0 : index
    %get3A_207 = vector.load %arg4[%get3A_204, %get3A_205, %get3A_206] : memref<4x512x1024xf32, #tpu.memory_space<vmem>>, vector<4x512x1024xf32>
    %reduce_max3A_208 = arith.constant dense<0xFF800000> : vector<4x1024xf32>
    %reduce_max3A_209 = vector.multi_reduction <maximumf>, %get3A_207, %reduce_max3A_208 [1] : vector<4x512x1024xf32> to vector<4x1024xf32>
    %iota3A_210 = tpu.iota {dimensions = array<i32: 1>} : vector<4x512x1024xi32>
    %convert_element_type3A_211 = arith.sitofp %iota3A_210 : vector<4x512x1024xi32> to vector<4x512x1024xf32>
    %broadcast_in_dim3A_212 = vector.shape_cast %reduce_max3A_209 : vector<4x1024xf32> to vector<4x1x1024xf32>
    %eq3A_213 = vector.broadcast %broadcast_in_dim3A_212 : vector<4x1x1024xf32> to vector<4x512x1024xf32>
    %eq3A_214 = arith.cmpf oeq, %get3A_207, %eq3A_213 : vector<4x512x1024xf32>
    %jit3A_215 = arith.constant 5.120000e+02 : f32
    %broadcast_in_dim3A_216 = vector.broadcast %jit3A_215 : f32 to vector<4x512x1024xf32>
    %select_n3A_217 = arith.select %eq3A_214, %convert_element_type3A_211, %broadcast_in_dim3A_216 : vector<4x512x1024xi1>, vector<4x512x1024xf32>
    %reduce_min3A_218 = arith.constant dense<0x7F800000> : vector<4x1024xf32>
    %reduce_min3A_219 = vector.multi_reduction <minimumf>, %select_n3A_217, %reduce_min3A_218 [1] : vector<4x512x1024xf32> to vector<4x1024xf32>
    %convert_element_type3A_220 = arith.fptosi %reduce_min3A_219 : vector<4x1024xf32> to vector<4x1024xi32>
    %add3A_221 = arith.constant 2560 : i32
    %add3A_222 = vector.broadcast %add3A_221 : i32 to vector<4x1024xi32>
    %add3A_223 = arith.addi %convert_element_type3A_220, %add3A_222 : vector<4x1024xi32>
    %get3A_224 = arith.constant 0 : index
    %get3A_225 = arith.constant 0 : index
    %get3A_226 = vector.load %arg1[%get3A_224, %get3A_225] : memref<4x1024xf32, #tpu.memory_space<vmem>>, vector<4x1024xf32>
    %gt3A_227 = arith.cmpf ogt, %reduce_max3A_209, %get3A_226 : vector<4x1024xf32>
    %select_n3A_228 = arith.select %gt3A_227, %reduce_max3A_209, %get3A_226 : vector<4x1024xi1>, vector<4x1024xf32>
    %swap3A_229 = arith.constant 0 : index
    %swap3A_230 = arith.constant 0 : index
    %swap3A_231 = vector.load %arg1[%swap3A_229, %swap3A_230] : memref<4x1024xf32, #tpu.memory_space<vmem>>, vector<4x1024xf32>
    tpu.vector_store %arg1[%swap3A_229, %swap3A_230], %select_n3A_228 {strides = array<i32>} : memref<4x1024xf32, #tpu.memory_space<vmem>>, vector<4x1024xf32>,
    %get3A_232 = arith.constant 0 : index
    %get3A_233 = arith.constant 0 : index
    %get3A_234 = vector.load %arg2[%get3A_232, %get3A_233] : memref<4x1024xi32, #tpu.memory_space<vmem>>, vector<4x1024xi32>
    %select_n3A_235 = arith.select %gt3A_227, %add3A_223, %get3A_234 : vector<4x1024xi1>, vector<4x1024xi32>
    %swap3A_236 = arith.constant 0 : index
    %swap3A_237 = arith.constant 0 : index
    %swap3A_238 = vector.load %arg2[%swap3A_236, %swap3A_237] : memref<4x1024xi32, #tpu.memory_space<vmem>>, vector<4x1024xi32>
    tpu.vector_store %arg2[%swap3A_236, %swap3A_237], %select_n3A_235 {strides = array<i32>} : memref<4x1024xi32, #tpu.memory_space<vmem>>, vector<4x1024xi32>,
    %dma_start3A_239 = arith.constant 0 : i32
    %dma_start3A_240 = arith.constant 3584 : i32
    %dma_start3A_241 = arith.constant 0 : i32
    %dma_start3A_242 = tpu.memref_slice %arg0[%dma_start3A_239, %dma_start3A_240, %dma_start3A_241] : memref<4x8192x1024xf32, #tpu.memory_space<any>> -> memref<4x512x1024xf32, #tpu.memory_space<any>>
    tpu.enqueue_dma source(%dma_start3A_242 : memref<4x512x1024xf32, #tpu.memory_space<any>>) target(%arg4 : memref<4x512x1024xf32, #tpu.memory_space<vmem>>) target_semaphore(%arg6 : memref<!tpu.dma_semaphore, #tpu.memory_space<semaphore_mem>>)
    %dma_wait3A_243 = arith.constant 0 : i32
    %dma_wait3A_244 = arith.constant 3072 : i32
    %dma_wait3A_245 = arith.constant 0 : i32
    %dma_wait3A_246 = tpu.memref_slice %arg0[%dma_wait3A_243, %dma_wait3A_244, %dma_wait3A_245] : memref<4x8192x1024xf32, #tpu.memory_space<any>> -> memref<4x512x1024xf32, #tpu.memory_space<any>>
    tpu.wait_dma2 semaphore(%arg5 : memref<!tpu.dma_semaphore, #tpu.memory_space<semaphore_mem>>) src(%dma_wait3A_246 : memref<4x512x1024xf32, #tpu.memory_space<any>>) dst(%arg3 : memref<4x512x1024xf32, #tpu.memory_space<vmem>>)
    %get3A_247 = arith.constant 0 : index
    %get3A_248 = arith.constant 0 : index
    %get3A_249 = arith.constant 0 : index
    %get3A_250 = vector.load %arg3[%get3A_247, %get3A_248, %get3A_249] : memref<4x512x1024xf32, #tpu.memory_space<vmem>>, vector<4x512x1024xf32>
    %reduce_max3A_251 = arith.constant dense<0xFF800000> : vector<4x1024xf32>
    %reduce_max3A_252 = vector.multi_reduction <maximumf>, %get3A_250, %reduce_max3A_251 [1] : vector<4x512x1024xf32> to vector<4x1024xf32>
    %iota3A_253 = tpu.iota {dimensions = array<i32: 1>} : vector<4x512x1024xi32>
    %convert_element_type3A_254 = arith.sitofp %iota3A_253 : vector<4x512x1024xi32> to vector<4x512x1024xf32>
    %broadcast_in_dim3A_255 = vector.shape_cast %reduce_max3A_252 : vector<4x1024xf32> to vector<4x1x1024xf32>
    %eq3A_256 = vector.broadcast %broadcast_in_dim3A_255 : vector<4x1x1024xf32> to vector<4x512x1024xf32>
    %eq3A_257 = arith.cmpf oeq, %get3A_250, %eq3A_256 : vector<4x512x1024xf32>
    %jit3A_258 = arith.constant 5.120000e+02 : f32
    %broadcast_in_dim3A_259 = vector.broadcast %jit3A_258 : f32 to vector<4x512x1024xf32>
    %select_n3A_260 = arith.select %eq3A_257, %convert_element_type3A_254, %broadcast_in_dim3A_259 : vector<4x512x1024xi1>, vector<4x512x1024xf32>
    %reduce_min3A_261 = arith.constant dense<0x7F800000> : vector<4x1024xf32>
    %reduce_min3A_262 = vector.multi_reduction <minimumf>, %select_n3A_260, %reduce_min3A_261 [1] : vector<4x512x1024xf32> to vector<4x1024xf32>
    %convert_element_type3A_263 = arith.fptosi %reduce_min3A_262 : vector<4x1024xf32> to vector<4x1024xi32>
    %add3A_264 = arith.constant 3072 : i32
    %add3A_265 = vector.broadcast %add3A_264 : i32 to vector<4x1024xi32>
    %add3A_266 = arith.addi %convert_element_type3A_263, %add3A_265 : vector<4x1024xi32>
    %get3A_267 = arith.constant 0 : index
    %get3A_268 = arith.constant 0 : index
    %get3A_269 = vector.load %arg1[%get3A_267, %get3A_268] : memref<4x1024xf32, #tpu.memory_space<vmem>>, vector<4x1024xf32>
    %gt3A_270 = arith.cmpf ogt, %reduce_max3A_252, %get3A_269 : vector<4x1024xf32>
    %select_n3A_271 = arith.select %gt3A_270, %reduce_max3A_252, %get3A_269 : vector<4x1024xi1>, vector<4x1024xf32>
    %swap3A_272 = arith.constant 0 : index
    %swap3A_273 = arith.constant 0 : index
    %swap3A_274 = vector.load %arg1[%swap3A_272, %swap3A_273] : memref<4x1024xf32, #tpu.memory_space<vmem>>, vector<4x1024xf32>
    tpu.vector_store %arg1[%swap3A_272, %swap3A_273], %select_n3A_271 {strides = array<i32>} : memref<4x1024xf32, #tpu.memory_space<vmem>>, vector<4x1024xf32>,
    %get3A_275 = arith.constant 0 : index
    %get3A_276 = arith.constant 0 : index
    %get3A_277 = vector.load %arg2[%get3A_275, %get3A_276] : memref<4x1024xi32, #tpu.memory_space<vmem>>, vector<4x1024xi32>
    %select_n3A_278 = arith.select %gt3A_270, %add3A_266, %get3A_277 : vector<4x1024xi1>, vector<4x1024xi32>
    %swap3A_279 = arith.constant 0 : index
    %swap3A_280 = arith.constant 0 : index
    %swap3A_281 = vector.load %arg2[%swap3A_279, %swap3A_280] : memref<4x1024xi32, #tpu.memory_space<vmem>>, vector<4x1024xi32>
    tpu.vector_store %arg2[%swap3A_279, %swap3A_280], %select_n3A_278 {strides = array<i32>} : memref<4x1024xi32, #tpu.memory_space<vmem>>, vector<4x1024xi32>,
    %dma_start3A_282 = arith.constant 0 : i32
    %dma_start3A_283 = arith.constant 4096 : i32
    %dma_start3A_284 = arith.constant 0 : i32
    %dma_start3A_285 = tpu.memref_slice %arg0[%dma_start3A_282, %dma_start3A_283, %dma_start3A_284] : memref<4x8192x1024xf32, #tpu.memory_space<any>> -> memref<4x512x1024xf32, #tpu.memory_space<any>>
    tpu.enqueue_dma source(%dma_start3A_285 : memref<4x512x1024xf32, #tpu.memory_space<any>>) target(%arg3 : memref<4x512x1024xf32, #tpu.memory_space<vmem>>) target_semaphore(%arg5 : memref<!tpu.dma_semaphore, #tpu.memory_space<semaphore_mem>>)
    %dma_wait3A_286 = arith.constant 0 : i32
    %dma_wait3A_287 = arith.constant 3584 : i32
    %dma_wait3A_288 = arith.constant 0 : i32
    %dma_wait3A_289 = tpu.memref_slice %arg0[%dma_wait3A_286, %dma_wait3A_287, %dma_wait3A_288] : memref<4x8192x1024xf32, #tpu.memory_space<any>> -> memref<4x512x1024xf32, #tpu.memory_space<any>>
    tpu.wait_dma2 semaphore(%arg6 : memref<!tpu.dma_semaphore, #tpu.memory_space<semaphore_mem>>) src(%dma_wait3A_289 : memref<4x512x1024xf32, #tpu.memory_space<any>>) dst(%arg4 : memref<4x512x1024xf32, #tpu.memory_space<vmem>>)
    %get3A_290 = arith.constant 0 : index
    %get3A_291 = arith.constant 0 : index
    %get3A_292 = arith.constant 0 : index
    %get3A_293 = vector.load %arg4[%get3A_290, %get3A_291, %get3A_292] : memref<4x512x1024xf32, #tpu.memory_space<vmem>>, vector<4x512x1024xf32>
    %reduce_max3A_294 = arith.constant dense<0xFF800000> : vector<4x1024xf32>
    %reduce_max3A_295 = vector.multi_reduction <maximumf>, %get3A_293, %reduce_max3A_294 [1] : vector<4x512x1024xf32> to vector<4x1024xf32>
    %iota3A_296 = tpu.iota {dimensions = array<i32: 1>} : vector<4x512x1024xi32>
    %convert_element_type3A_297 = arith.sitofp %iota3A_296 : vector<4x512x1024xi32> to vector<4x512x1024xf32>
    %broadcast_in_dim3A_298 = vector.shape_cast %reduce_max3A_295 : vector<4x1024xf32> to vector<4x1x1024xf32>
    %eq3A_299 = vector.broadcast %broadcast_in_dim3A_298 : vector<4x1x1024xf32> to vector<4x512x1024xf32>
    %eq3A_300 = arith.cmpf oeq, %get3A_293, %eq3A_299 : vector<4x512x1024xf32>
    %jit3A_301 = arith.constant 5.120000e+02 : f32
    %broadcast_in_dim3A_302 = vector.broadcast %jit3A_301 : f32 to vector<4x512x1024xf32>
    %select_n3A_303 = arith.select %eq3A_300, %convert_element_type3A_297, %broadcast_in_dim3A_302 : vector<4x512x1024xi1>, vector<4x512x1024xf32>
    %reduce_min3A_304 = arith.constant dense<0x7F800000> : vector<4x1024xf32>
    %reduce_min3A_305 = vector.multi_reduction <minimumf>, %select_n3A_303, %reduce_min3A_304 [1] : vector<4x512x1024xf32> to vector<4x1024xf32>
    %convert_element_type3A_306 = arith.fptosi %reduce_min3A_305 : vector<4x1024xf32> to vector<4x1024xi32>
    %add3A_307 = arith.constant 3584 : i32
    %add3A_308 = vector.broadcast %add3A_307 : i32 to vector<4x1024xi32>
    %add3A_309 = arith.addi %convert_element_type3A_306, %add3A_308 : vector<4x1024xi32>
    %get3A_310 = arith.constant 0 : index
    %get3A_311 = arith.constant 0 : index
    %get3A_312 = vector.load %arg1[%get3A_310, %get3A_311] : memref<4x1024xf32, #tpu.memory_space<vmem>>, vector<4x1024xf32>
    %gt3A_313 = arith.cmpf ogt, %reduce_max3A_295, %get3A_312 : vector<4x1024xf32>
    %select_n3A_314 = arith.select %gt3A_313, %reduce_max3A_295, %get3A_312 : vector<4x1024xi1>, vector<4x1024xf32>
    %swap3A_315 = arith.constant 0 : index
    %swap3A_316 = arith.constant 0 : index
    %swap3A_317 = vector.load %arg1[%swap3A_315, %swap3A_316] : memref<4x1024xf32, #tpu.memory_space<vmem>>, vector<4x1024xf32>
    tpu.vector_store %arg1[%swap3A_315, %swap3A_316], %select_n3A_314 {strides = array<i32>} : memref<4x1024xf32, #tpu.memory_space<vmem>>, vector<4x1024xf32>,
    %get3A_318 = arith.constant 0 : index
    %get3A_319 = arith.constant 0 : index
    %get3A_320 = vector.load %arg2[%get3A_318, %get3A_319] : memref<4x1024xi32, #tpu.memory_space<vmem>>, vector<4x1024xi32>
    %select_n3A_321 = arith.select %gt3A_313, %add3A_309, %get3A_320 : vector<4x1024xi1>, vector<4x1024xi32>
    %swap3A_322 = arith.constant 0 : index
    %swap3A_323 = arith.constant 0 : index
    %swap3A_324 = vector.load %arg2[%swap3A_322, %swap3A_323] : memref<4x1024xi32, #tpu.memory_space<vmem>>, vector<4x1024xi32>
    tpu.vector_store %arg2[%swap3A_322, %swap3A_323], %select_n3A_321 {strides = array<i32>} : memref<4x1024xi32, #tpu.memory_space<vmem>>, vector<4x1024xi32>,
    %dma_start3A_325 = arith.constant 0 : i32
    %dma_start3A_326 = arith.constant 4608 : i32
    %dma_start3A_327 = arith.constant 0 : i32
    %dma_start3A_328 = tpu.memref_slice %arg0[%dma_start3A_325, %dma_start3A_326, %dma_start3A_327] : memref<4x8192x1024xf32, #tpu.memory_space<any>> -> memref<4x512x1024xf32, #tpu.memory_space<any>>
    tpu.enqueue_dma source(%dma_start3A_328 : memref<4x512x1024xf32, #tpu.memory_space<any>>) target(%arg4 : memref<4x512x1024xf32, #tpu.memory_space<vmem>>) target_semaphore(%arg6 : memref<!tpu.dma_semaphore, #tpu.memory_space<semaphore_mem>>)
    %dma_wait3A_329 = arith.constant 0 : i32
    %dma_wait3A_330 = arith.constant 4096 : i32
    %dma_wait3A_331 = arith.constant 0 : i32
    %dma_wait3A_332 = tpu.memref_slice %arg0[%dma_wait3A_329, %dma_wait3A_330, %dma_wait3A_331] : memref<4x8192x1024xf32, #tpu.memory_space<any>> -> memref<4x512x1024xf32, #tpu.memory_space<any>>
    tpu.wait_dma2 semaphore(%arg5 : memref<!tpu.dma_semaphore, #tpu.memory_space<semaphore_mem>>) src(%dma_wait3A_332 : memref<4x512x1024xf32, #tpu.memory_space<any>>) dst(%arg3 : memref<4x512x1024xf32, #tpu.memory_space<vmem>>)
    %get3A_333 = arith.constant 0 : index
    %get3A_334 = arith.constant 0 : index
    %get3A_335 = arith.constant 0 : index
    %get3A_336 = vector.load %arg3[%get3A_333, %get3A_334, %get3A_335] : memref<4x512x1024xf32, #tpu.memory_space<vmem>>, vector<4x512x1024xf32>
    %reduce_max3A_337 = arith.constant dense<0xFF800000> : vector<4x1024xf32>
    %reduce_max3A_338 = vector.multi_reduction <maximumf>, %get3A_336, %reduce_max3A_337 [1] : vector<4x512x1024xf32> to vector<4x1024xf32>
    %iota3A_339 = tpu.iota {dimensions = array<i32: 1>} : vector<4x512x1024xi32>
    %convert_element_type3A_340 = arith.sitofp %iota3A_339 : vector<4x512x1024xi32> to vector<4x512x1024xf32>
    %broadcast_in_dim3A_341 = vector.shape_cast %reduce_max3A_338 : vector<4x1024xf32> to vector<4x1x1024xf32>
    %eq3A_342 = vector.broadcast %broadcast_in_dim3A_341 : vector<4x1x1024xf32> to vector<4x512x1024xf32>
    %eq3A_343 = arith.cmpf oeq, %get3A_336, %eq3A_342 : vector<4x512x1024xf32>
    %jit3A_344 = arith.constant 5.120000e+02 : f32
    %broadcast_in_dim3A_345 = vector.broadcast %jit3A_344 : f32 to vector<4x512x1024xf32>
    %select_n3A_346 = arith.select %eq3A_343, %convert_element_type3A_340, %broadcast_in_dim3A_345 : vector<4x512x1024xi1>, vector<4x512x1024xf32>
    %reduce_min3A_347 = arith.constant dense<0x7F800000> : vector<4x1024xf32>
    %reduce_min3A_348 = vector.multi_reduction <minimumf>, %select_n3A_346, %reduce_min3A_347 [1] : vector<4x512x1024xf32> to vector<4x1024xf32>
    %convert_element_type3A_349 = arith.fptosi %reduce_min3A_348 : vector<4x1024xf32> to vector<4x1024xi32>
    %add3A_350 = arith.constant 4096 : i32
    %add3A_351 = vector.broadcast %add3A_350 : i32 to vector<4x1024xi32>
    %add3A_352 = arith.addi %convert_element_type3A_349, %add3A_351 : vector<4x1024xi32>
    %get3A_353 = arith.constant 0 : index
    %get3A_354 = arith.constant 0 : index
    %get3A_355 = vector.load %arg1[%get3A_353, %get3A_354] : memref<4x1024xf32, #tpu.memory_space<vmem>>, vector<4x1024xf32>
    %gt3A_356 = arith.cmpf ogt, %reduce_max3A_338, %get3A_355 : vector<4x1024xf32>
    %select_n3A_357 = arith.select %gt3A_356, %reduce_max3A_338, %get3A_355 : vector<4x1024xi1>, vector<4x1024xf32>
    %swap3A_358 = arith.constant 0 : index
    %swap3A_359 = arith.constant 0 : index
    %swap3A_360 = vector.load %arg1[%swap3A_358, %swap3A_359] : memref<4x1024xf32, #tpu.memory_space<vmem>>, vector<4x1024xf32>
    tpu.vector_store %arg1[%swap3A_358, %swap3A_359], %select_n3A_357 {strides = array<i32>} : memref<4x1024xf32, #tpu.memory_space<vmem>>, vector<4x1024xf32>,
    %get3A_361 = arith.constant 0 : index
    %get3A_362 = arith.constant 0 : index
    %get3A_363 = vector.load %arg2[%get3A_361, %get3A_362] : memref<4x1024xi32, #tpu.memory_space<vmem>>, vector<4x1024xi32>
    %select_n3A_364 = arith.select %gt3A_356, %add3A_352, %get3A_363 : vector<4x1024xi1>, vector<4x1024xi32>
    %swap3A_365 = arith.constant 0 : index
    %swap3A_366 = arith.constant 0 : index
    %swap3A_367 = vector.load %arg2[%swap3A_365, %swap3A_366] : memref<4x1024xi32, #tpu.memory_space<vmem>>, vector<4x1024xi32>
    tpu.vector_store %arg2[%swap3A_365, %swap3A_366], %select_n3A_364 {strides = array<i32>} : memref<4x1024xi32, #tpu.memory_space<vmem>>, vector<4x1024xi32>,
    %dma_start3A_368 = arith.constant 0 : i32
    %dma_start3A_369 = arith.constant 5120 : i32
    %dma_start3A_370 = arith.constant 0 : i32
    %dma_start3A_371 = tpu.memref_slice %arg0[%dma_start3A_368, %dma_start3A_369, %dma_start3A_370] : memref<4x8192x1024xf32, #tpu.memory_space<any>> -> memref<4x512x1024xf32, #tpu.memory_space<any>>
    tpu.enqueue_dma source(%dma_start3A_371 : memref<4x512x1024xf32, #tpu.memory_space<any>>) target(%arg3 : memref<4x512x1024xf32, #tpu.memory_space<vmem>>) target_semaphore(%arg5 : memref<!tpu.dma_semaphore, #tpu.memory_space<semaphore_mem>>)
    %dma_wait3A_372 = arith.constant 0 : i32
    %dma_wait3A_373 = arith.constant 4608 : i32
    %dma_wait3A_374 = arith.constant 0 : i32
    %dma_wait3A_375 = tpu.memref_slice %arg0[%dma_wait3A_372, %dma_wait3A_373, %dma_wait3A_374] : memref<4x8192x1024xf32, #tpu.memory_space<any>> -> memref<4x512x1024xf32, #tpu.memory_space<any>>
    tpu.wait_dma2 semaphore(%arg6 : memref<!tpu.dma_semaphore, #tpu.memory_space<semaphore_mem>>) src(%dma_wait3A_375 : memref<4x512x1024xf32, #tpu.memory_space<any>>) dst(%arg4 : memref<4x512x1024xf32, #tpu.memory_space<vmem>>)
    %get3A_376 = arith.constant 0 : index
    %get3A_377 = arith.constant 0 : index
    %get3A_378 = arith.constant 0 : index
    %get3A_379 = vector.load %arg4[%get3A_376, %get3A_377, %get3A_378] : memref<4x512x1024xf32, #tpu.memory_space<vmem>>, vector<4x512x1024xf32>
    %reduce_max3A_380 = arith.constant dense<0xFF800000> : vector<4x1024xf32>
    %reduce_max3A_381 = vector.multi_reduction <maximumf>, %get3A_379, %reduce_max3A_380 [1] : vector<4x512x1024xf32> to vector<4x1024xf32>
    %iota3A_382 = tpu.iota {dimensions = array<i32: 1>} : vector<4x512x1024xi32>
    %convert_element_type3A_383 = arith.sitofp %iota3A_382 : vector<4x512x1024xi32> to vector<4x512x1024xf32>
    %broadcast_in_dim3A_384 = vector.shape_cast %reduce_max3A_381 : vector<4x1024xf32> to vector<4x1x1024xf32>
    %eq3A_385 = vector.broadcast %broadcast_in_dim3A_384 : vector<4x1x1024xf32> to vector<4x512x1024xf32>
    %eq3A_386 = arith.cmpf oeq, %get3A_379, %eq3A_385 : vector<4x512x1024xf32>
    %jit3A_387 = arith.constant 5.120000e+02 : f32
    %broadcast_in_dim3A_388 = vector.broadcast %jit3A_387 : f32 to vector<4x512x1024xf32>
    %select_n3A_389 = arith.select %eq3A_386, %convert_element_type3A_383, %broadcast_in_dim3A_388 : vector<4x512x1024xi1>, vector<4x512x1024xf32>
    %reduce_min3A_390 = arith.constant dense<0x7F800000> : vector<4x1024xf32>
    %reduce_min3A_391 = vector.multi_reduction <minimumf>, %select_n3A_389, %reduce_min3A_390 [1] : vector<4x512x1024xf32> to vector<4x1024xf32>
    %convert_element_type3A_392 = arith.fptosi %reduce_min3A_391 : vector<4x1024xf32> to vector<4x1024xi32>
    %add3A_393 = arith.constant 4608 : i32
    %add3A_394 = vector.broadcast %add3A_393 : i32 to vector<4x1024xi32>
    %add3A_395 = arith.addi %convert_element_type3A_392, %add3A_394 : vector<4x1024xi32>
    %get3A_396 = arith.constant 0 : index
    %get3A_397 = arith.constant 0 : index
    %get3A_398 = vector.load %arg1[%get3A_396, %get3A_397] : memref<4x1024xf32, #tpu.memory_space<vmem>>, vector<4x1024xf32>
    %gt3A_399 = arith.cmpf ogt, %reduce_max3A_381, %get3A_398 : vector<4x1024xf32>
    %select_n3A_400 = arith.select %gt3A_399, %reduce_max3A_381, %get3A_398 : vector<4x1024xi1>, vector<4x1024xf32>
    %swap3A_401 = arith.constant 0 : index
    %swap3A_402 = arith.constant 0 : index
    %swap3A_403 = vector.load %arg1[%swap3A_401, %swap3A_402] : memref<4x1024xf32, #tpu.memory_space<vmem>>, vector<4x1024xf32>
    tpu.vector_store %arg1[%swap3A_401, %swap3A_402], %select_n3A_400 {strides = array<i32>} : memref<4x1024xf32, #tpu.memory_space<vmem>>, vector<4x1024xf32>,
    %get3A_404 = arith.constant 0 : index
    %get3A_405 = arith.constant 0 : index
    %get3A_406 = vector.load %arg2[%get3A_404, %get3A_405] : memref<4x1024xi32, #tpu.memory_space<vmem>>, vector<4x1024xi32>
    %select_n3A_407 = arith.select %gt3A_399, %add3A_395, %get3A_406 : vector<4x1024xi1>, vector<4x1024xi32>
    %swap3A_408 = arith.constant 0 : index
    %swap3A_409 = arith.constant 0 : index
    %swap3A_410 = vector.load %arg2[%swap3A_408, %swap3A_409] : memref<4x1024xi32, #tpu.memory_space<vmem>>, vector<4x1024xi32>
    tpu.vector_store %arg2[%swap3A_408, %swap3A_409], %select_n3A_407 {strides = array<i32>} : memref<4x1024xi32, #tpu.memory_space<vmem>>, vector<4x1024xi32>,
    %dma_start3A_411 = arith.constant 0 : i32
    %dma_start3A_412 = arith.constant 5632 : i32
    %dma_start3A_413 = arith.constant 0 : i32
    %dma_start3A_414 = tpu.memref_slice %arg0[%dma_start3A_411, %dma_start3A_412, %dma_start3A_413] : memref<4x8192x1024xf32, #tpu.memory_space<any>> -> memref<4x512x1024xf32, #tpu.memory_space<any>>
    tpu.enqueue_dma source(%dma_start3A_414 : memref<4x512x1024xf32, #tpu.memory_space<any>>) target(%arg4 : memref<4x512x1024xf32, #tpu.memory_space<vmem>>) target_semaphore(%arg6 : memref<!tpu.dma_semaphore, #tpu.memory_space<semaphore_mem>>)
    %dma_wait3A_415 = arith.constant 0 : i32
    %dma_wait3A_416 = arith.constant 5120 : i32
    %dma_wait3A_417 = arith.constant 0 : i32
    %dma_wait3A_418 = tpu.memref_slice %arg0[%dma_wait3A_415, %dma_wait3A_416, %dma_wait3A_417] : memref<4x8192x1024xf32, #tpu.memory_space<any>> -> memref<4x512x1024xf32, #tpu.memory_space<any>>
    tpu.wait_dma2 semaphore(%arg5 : memref<!tpu.dma_semaphore, #tpu.memory_space<semaphore_mem>>) src(%dma_wait3A_418 : memref<4x512x1024xf32, #tpu.memory_space<any>>) dst(%arg3 : memref<4x512x1024xf32, #tpu.memory_space<vmem>>)
    %get3A_419 = arith.constant 0 : index
    %get3A_420 = arith.constant 0 : index
    %get3A_421 = arith.constant 0 : index
    %get3A_422 = vector.load %arg3[%get3A_419, %get3A_420, %get3A_421] : memref<4x512x1024xf32, #tpu.memory_space<vmem>>, vector<4x512x1024xf32>
    %reduce_max3A_423 = arith.constant dense<0xFF800000> : vector<4x1024xf32>
    %reduce_max3A_424 = vector.multi_reduction <maximumf>, %get3A_422, %reduce_max3A_423 [1] : vector<4x512x1024xf32> to vector<4x1024xf32>
    %iota3A_425 = tpu.iota {dimensions = array<i32: 1>} : vector<4x512x1024xi32>
    %convert_element_type3A_426 = arith.sitofp %iota3A_425 : vector<4x512x1024xi32> to vector<4x512x1024xf32>
    %broadcast_in_dim3A_427 = vector.shape_cast %reduce_max3A_424 : vector<4x1024xf32> to vector<4x1x1024xf32>
    %eq3A_428 = vector.broadcast %broadcast_in_dim3A_427 : vector<4x1x1024xf32> to vector<4x512x1024xf32>
    %eq3A_429 = arith.cmpf oeq, %get3A_422, %eq3A_428 : vector<4x512x1024xf32>
    %jit3A_430 = arith.constant 5.120000e+02 : f32
    %broadcast_in_dim3A_431 = vector.broadcast %jit3A_430 : f32 to vector<4x512x1024xf32>
    %select_n3A_432 = arith.select %eq3A_429, %convert_element_type3A_426, %broadcast_in_dim3A_431 : vector<4x512x1024xi1>, vector<4x512x1024xf32>
    %reduce_min3A_433 = arith.constant dense<0x7F800000> : vector<4x1024xf32>
    %reduce_min3A_434 = vector.multi_reduction <minimumf>, %select_n3A_432, %reduce_min3A_433 [1] : vector<4x512x1024xf32> to vector<4x1024xf32>
    %convert_element_type3A_435 = arith.fptosi %reduce_min3A_434 : vector<4x1024xf32> to vector<4x1024xi32>
    %add3A_436 = arith.constant 5120 : i32
    %add3A_437 = vector.broadcast %add3A_436 : i32 to vector<4x1024xi32>
    %add3A_438 = arith.addi %convert_element_type3A_435, %add3A_437 : vector<4x1024xi32>
    %get3A_439 = arith.constant 0 : index
    %get3A_440 = arith.constant 0 : index
    %get3A_441 = vector.load %arg1[%get3A_439, %get3A_440] : memref<4x1024xf32, #tpu.memory_space<vmem>>, vector<4x1024xf32>
    %gt3A_442 = arith.cmpf ogt, %reduce_max3A_424, %get3A_441 : vector<4x1024xf32>
    %select_n3A_443 = arith.select %gt3A_442, %reduce_max3A_424, %get3A_441 : vector<4x1024xi1>, vector<4x1024xf32>
    %swap3A_444 = arith.constant 0 : index
    %swap3A_445 = arith.constant 0 : index
    %swap3A_446 = vector.load %arg1[%swap3A_444, %swap3A_445] : memref<4x1024xf32, #tpu.memory_space<vmem>>, vector<4x1024xf32>
    tpu.vector_store %arg1[%swap3A_444, %swap3A_445], %select_n3A_443 {strides = array<i32>} : memref<4x1024xf32, #tpu.memory_space<vmem>>, vector<4x1024xf32>,
    %get3A_447 = arith.constant 0 : index
    %get3A_448 = arith.constant 0 : index
    %get3A_449 = vector.load %arg2[%get3A_447, %get3A_448] : memref<4x1024xi32, #tpu.memory_space<vmem>>, vector<4x1024xi32>
    %select_n3A_450 = arith.select %gt3A_442, %add3A_438, %get3A_449 : vector<4x1024xi1>, vector<4x1024xi32>
    %swap3A_451 = arith.constant 0 : index
    %swap3A_452 = arith.constant 0 : index
    %swap3A_453 = vector.load %arg2[%swap3A_451, %swap3A_452] : memref<4x1024xi32, #tpu.memory_space<vmem>>, vector<4x1024xi32>
    tpu.vector_store %arg2[%swap3A_451, %swap3A_452], %select_n3A_450 {strides = array<i32>} : memref<4x1024xi32, #tpu.memory_space<vmem>>, vector<4x1024xi32>,
    %dma_start3A_454 = arith.constant 0 : i32
    %dma_start3A_455 = arith.constant 6144 : i32
    %dma_start3A_456 = arith.constant 0 : i32
    %dma_start3A_457 = tpu.memref_slice %arg0[%dma_start3A_454, %dma_start3A_455, %dma_start3A_456] : memref<4x8192x1024xf32, #tpu.memory_space<any>> -> memref<4x512x1024xf32, #tpu.memory_space<any>>
    tpu.enqueue_dma source(%dma_start3A_457 : memref<4x512x1024xf32, #tpu.memory_space<any>>) target(%arg3 : memref<4x512x1024xf32, #tpu.memory_space<vmem>>) target_semaphore(%arg5 : memref<!tpu.dma_semaphore, #tpu.memory_space<semaphore_mem>>)
    %dma_wait3A_458 = arith.constant 0 : i32
    %dma_wait3A_459 = arith.constant 5632 : i32
    %dma_wait3A_460 = arith.constant 0 : i32
    %dma_wait3A_461 = tpu.memref_slice %arg0[%dma_wait3A_458, %dma_wait3A_459, %dma_wait3A_460] : memref<4x8192x1024xf32, #tpu.memory_space<any>> -> memref<4x512x1024xf32, #tpu.memory_space<any>>
    tpu.wait_dma2 semaphore(%arg6 : memref<!tpu.dma_semaphore, #tpu.memory_space<semaphore_mem>>) src(%dma_wait3A_461 : memref<4x512x1024xf32, #tpu.memory_space<any>>) dst(%arg4 : memref<4x512x1024xf32, #tpu.memory_space<vmem>>)
    %get3A_462 = arith.constant 0 : index
    %get3A_463 = arith.constant 0 : index
    %get3A_464 = arith.constant 0 : index
    %get3A_465 = vector.load %arg4[%get3A_462, %get3A_463, %get3A_464] : memref<4x512x1024xf32, #tpu.memory_space<vmem>>, vector<4x512x1024xf32>
    %reduce_max3A_466 = arith.constant dense<0xFF800000> : vector<4x1024xf32>
    %reduce_max3A_467 = vector.multi_reduction <maximumf>, %get3A_465, %reduce_max3A_466 [1] : vector<4x512x1024xf32> to vector<4x1024xf32>
    %iota3A_468 = tpu.iota {dimensions = array<i32: 1>} : vector<4x512x1024xi32>
    %convert_element_type3A_469 = arith.sitofp %iota3A_468 : vector<4x512x1024xi32> to vector<4x512x1024xf32>
    %broadcast_in_dim3A_470 = vector.shape_cast %reduce_max3A_467 : vector<4x1024xf32> to vector<4x1x1024xf32>
    %eq3A_471 = vector.broadcast %broadcast_in_dim3A_470 : vector<4x1x1024xf32> to vector<4x512x1024xf32>
    %eq3A_472 = arith.cmpf oeq, %get3A_465, %eq3A_471 : vector<4x512x1024xf32>
    %jit3A_473 = arith.constant 5.120000e+02 : f32
    %broadcast_in_dim3A_474 = vector.broadcast %jit3A_473 : f32 to vector<4x512x1024xf32>
    %select_n3A_475 = arith.select %eq3A_472, %convert_element_type3A_469, %broadcast_in_dim3A_474 : vector<4x512x1024xi1>, vector<4x512x1024xf32>
    %reduce_min3A_476 = arith.constant dense<0x7F800000> : vector<4x1024xf32>
    %reduce_min3A_477 = vector.multi_reduction <minimumf>, %select_n3A_475, %reduce_min3A_476 [1] : vector<4x512x1024xf32> to vector<4x1024xf32>
    %convert_element_type3A_478 = arith.fptosi %reduce_min3A_477 : vector<4x1024xf32> to vector<4x1024xi32>
    %add3A_479 = arith.constant 5632 : i32
    %add3A_480 = vector.broadcast %add3A_479 : i32 to vector<4x1024xi32>
    %add3A_481 = arith.addi %convert_element_type3A_478, %add3A_480 : vector<4x1024xi32>
    %get3A_482 = arith.constant 0 : index
    %get3A_483 = arith.constant 0 : index
    %get3A_484 = vector.load %arg1[%get3A_482, %get3A_483] : memref<4x1024xf32, #tpu.memory_space<vmem>>, vector<4x1024xf32>
    %gt3A_485 = arith.cmpf ogt, %reduce_max3A_467, %get3A_484 : vector<4x1024xf32>
    %select_n3A_486 = arith.select %gt3A_485, %reduce_max3A_467, %get3A_484 : vector<4x1024xi1>, vector<4x1024xf32>
    %swap3A_487 = arith.constant 0 : index
    %swap3A_488 = arith.constant 0 : index
    %swap3A_489 = vector.load %arg1[%swap3A_487, %swap3A_488] : memref<4x1024xf32, #tpu.memory_space<vmem>>, vector<4x1024xf32>
    tpu.vector_store %arg1[%swap3A_487, %swap3A_488], %select_n3A_486 {strides = array<i32>} : memref<4x1024xf32, #tpu.memory_space<vmem>>, vector<4x1024xf32>,
    %get3A_490 = arith.constant 0 : index
    %get3A_491 = arith.constant 0 : index
    %get3A_492 = vector.load %arg2[%get3A_490, %get3A_491] : memref<4x1024xi32, #tpu.memory_space<vmem>>, vector<4x1024xi32>
    %select_n3A_493 = arith.select %gt3A_485, %add3A_481, %get3A_492 : vector<4x1024xi1>, vector<4x1024xi32>
    %swap3A_494 = arith.constant 0 : index
    %swap3A_495 = arith.constant 0 : index
    %swap3A_496 = vector.load %arg2[%swap3A_494, %swap3A_495] : memref<4x1024xi32, #tpu.memory_space<vmem>>, vector<4x1024xi32>
    tpu.vector_store %arg2[%swap3A_494, %swap3A_495], %select_n3A_493 {strides = array<i32>} : memref<4x1024xi32, #tpu.memory_space<vmem>>, vector<4x1024xi32>,
    %dma_start3A_497 = arith.constant 0 : i32
    %dma_start3A_498 = arith.constant 6656 : i32
    %dma_start3A_499 = arith.constant 0 : i32
    %dma_start3A_500 = tpu.memref_slice %arg0[%dma_start3A_497, %dma_start3A_498, %dma_start3A_499] : memref<4x8192x1024xf32, #tpu.memory_space<any>> -> memref<4x512x1024xf32, #tpu.memory_space<any>>
    tpu.enqueue_dma source(%dma_start3A_500 : memref<4x512x1024xf32, #tpu.memory_space<any>>) target(%arg4 : memref<4x512x1024xf32, #tpu.memory_space<vmem>>) target_semaphore(%arg6 : memref<!tpu.dma_semaphore, #tpu.memory_space<semaphore_mem>>)
    %dma_wait3A_501 = arith.constant 0 : i32
    %dma_wait3A_502 = arith.constant 6144 : i32
    %dma_wait3A_503 = arith.constant 0 : i32
    %dma_wait3A_504 = tpu.memref_slice %arg0[%dma_wait3A_501, %dma_wait3A_502, %dma_wait3A_503] : memref<4x8192x1024xf32, #tpu.memory_space<any>> -> memref<4x512x1024xf32, #tpu.memory_space<any>>
    tpu.wait_dma2 semaphore(%arg5 : memref<!tpu.dma_semaphore, #tpu.memory_space<semaphore_mem>>) src(%dma_wait3A_504 : memref<4x512x1024xf32, #tpu.memory_space<any>>) dst(%arg3 : memref<4x512x1024xf32, #tpu.memory_space<vmem>>)
    %get3A_505 = arith.constant 0 : index
    %get3A_506 = arith.constant 0 : index
    %get3A_507 = arith.constant 0 : index
    %get3A_508 = vector.load %arg3[%get3A_505, %get3A_506, %get3A_507] : memref<4x512x1024xf32, #tpu.memory_space<vmem>>, vector<4x512x1024xf32>
    %reduce_max3A_509 = arith.constant dense<0xFF800000> : vector<4x1024xf32>
    %reduce_max3A_510 = vector.multi_reduction <maximumf>, %get3A_508, %reduce_max3A_509 [1] : vector<4x512x1024xf32> to vector<4x1024xf32>
    %iota3A_511 = tpu.iota {dimensions = array<i32: 1>} : vector<4x512x1024xi32>
    %convert_element_type3A_512 = arith.sitofp %iota3A_511 : vector<4x512x1024xi32> to vector<4x512x1024xf32>
    %broadcast_in_dim3A_513 = vector.shape_cast %reduce_max3A_510 : vector<4x1024xf32> to vector<4x1x1024xf32>
    %eq3A_514 = vector.broadcast %broadcast_in_dim3A_513 : vector<4x1x1024xf32> to vector<4x512x1024xf32>
    %eq3A_515 = arith.cmpf oeq, %get3A_508, %eq3A_514 : vector<4x512x1024xf32>
    %jit3A_516 = arith.constant 5.120000e+02 : f32
    %broadcast_in_dim3A_517 = vector.broadcast %jit3A_516 : f32 to vector<4x512x1024xf32>
    %select_n3A_518 = arith.select %eq3A_515, %convert_element_type3A_512, %broadcast_in_dim3A_517 : vector<4x512x1024xi1>, vector<4x512x1024xf32>
    %reduce_min3A_519 = arith.constant dense<0x7F800000> : vector<4x1024xf32>
    %reduce_min3A_520 = vector.multi_reduction <minimumf>, %select_n3A_518, %reduce_min3A_519 [1] : vector<4x512x1024xf32> to vector<4x1024xf32>
    %convert_element_type3A_521 = arith.fptosi %reduce_min3A_520 : vector<4x1024xf32> to vector<4x1024xi32>
    %add3A_522 = arith.constant 6144 : i32
    %add3A_523 = vector.broadcast %add3A_522 : i32 to vector<4x1024xi32>
    %add3A_524 = arith.addi %convert_element_type3A_521, %add3A_523 : vector<4x1024xi32>
    %get3A_525 = arith.constant 0 : index
    %get3A_526 = arith.constant 0 : index
    %get3A_527 = vector.load %arg1[%get3A_525, %get3A_526] : memref<4x1024xf32, #tpu.memory_space<vmem>>, vector<4x1024xf32>
    %gt3A_528 = arith.cmpf ogt, %reduce_max3A_510, %get3A_527 : vector<4x1024xf32>
    %select_n3A_529 = arith.select %gt3A_528, %reduce_max3A_510, %get3A_527 : vector<4x1024xi1>, vector<4x1024xf32>
    %swap3A_530 = arith.constant 0 : index
    %swap3A_531 = arith.constant 0 : index
    %swap3A_532 = vector.load %arg1[%swap3A_530, %swap3A_531] : memref<4x1024xf32, #tpu.memory_space<vmem>>, vector<4x1024xf32>
    tpu.vector_store %arg1[%swap3A_530, %swap3A_531], %select_n3A_529 {strides = array<i32>} : memref<4x1024xf32, #tpu.memory_space<vmem>>, vector<4x1024xf32>,
    %get3A_533 = arith.constant 0 : index
    %get3A_534 = arith.constant 0 : index
    %get3A_535 = vector.load %arg2[%get3A_533, %get3A_534] : memref<4x1024xi32, #tpu.memory_space<vmem>>, vector<4x1024xi32>
    %select_n3A_536 = arith.select %gt3A_528, %add3A_524, %get3A_535 : vector<4x1024xi1>, vector<4x1024xi32>
    %swap3A_537 = arith.constant 0 : index
    %swap3A_538 = arith.constant 0 : index
    %swap3A_539 = vector.load %arg2[%swap3A_537, %swap3A_538] : memref<4x1024xi32, #tpu.memory_space<vmem>>, vector<4x1024xi32>
    tpu.vector_store %arg2[%swap3A_537, %swap3A_538], %select_n3A_536 {strides = array<i32>} : memref<4x1024xi32, #tpu.memory_space<vmem>>, vector<4x1024xi32>,
    %dma_start3A_540 = arith.constant 0 : i32
    %dma_start3A_541 = arith.constant 7168 : i32
    %dma_start3A_542 = arith.constant 0 : i32
    %dma_start3A_543 = tpu.memref_slice %arg0[%dma_start3A_540, %dma_start3A_541, %dma_start3A_542] : memref<4x8192x1024xf32, #tpu.memory_space<any>> -> memref<4x512x1024xf32, #tpu.memory_space<any>>
    tpu.enqueue_dma source(%dma_start3A_543 : memref<4x512x1024xf32, #tpu.memory_space<any>>) target(%arg3 : memref<4x512x1024xf32, #tpu.memory_space<vmem>>) target_semaphore(%arg5 : memref<!tpu.dma_semaphore, #tpu.memory_space<semaphore_mem>>)
    %dma_wait3A_544 = arith.constant 0 : i32
    %dma_wait3A_545 = arith.constant 6656 : i32
    %dma_wait3A_546 = arith.constant 0 : i32
    %dma_wait3A_547 = tpu.memref_slice %arg0[%dma_wait3A_544, %dma_wait3A_545, %dma_wait3A_546] : memref<4x8192x1024xf32, #tpu.memory_space<any>> -> memref<4x512x1024xf32, #tpu.memory_space<any>>
    tpu.wait_dma2 semaphore(%arg6 : memref<!tpu.dma_semaphore, #tpu.memory_space<semaphore_mem>>) src(%dma_wait3A_547 : memref<4x512x1024xf32, #tpu.memory_space<any>>) dst(%arg4 : memref<4x512x1024xf32, #tpu.memory_space<vmem>>)
    %get3A_548 = arith.constant 0 : index
    %get3A_549 = arith.constant 0 : index
    %get3A_550 = arith.constant 0 : index
    %get3A_551 = vector.load %arg4[%get3A_548, %get3A_549, %get3A_550] : memref<4x512x1024xf32, #tpu.memory_space<vmem>>, vector<4x512x1024xf32>
    %reduce_max3A_552 = arith.constant dense<0xFF800000> : vector<4x1024xf32>
    %reduce_max3A_553 = vector.multi_reduction <maximumf>, %get3A_551, %reduce_max3A_552 [1] : vector<4x512x1024xf32> to vector<4x1024xf32>
    %iota3A_554 = tpu.iota {dimensions = array<i32: 1>} : vector<4x512x1024xi32>
    %convert_element_type3A_555 = arith.sitofp %iota3A_554 : vector<4x512x1024xi32> to vector<4x512x1024xf32>
    %broadcast_in_dim3A_556 = vector.shape_cast %reduce_max3A_553 : vector<4x1024xf32> to vector<4x1x1024xf32>
    %eq3A_557 = vector.broadcast %broadcast_in_dim3A_556 : vector<4x1x1024xf32> to vector<4x512x1024xf32>
    %eq3A_558 = arith.cmpf oeq, %get3A_551, %eq3A_557 : vector<4x512x1024xf32>
    %jit3A_559 = arith.constant 5.120000e+02 : f32
    %broadcast_in_dim3A_560 = vector.broadcast %jit3A_559 : f32 to vector<4x512x1024xf32>
    %select_n3A_561 = arith.select %eq3A_558, %convert_element_type3A_555, %broadcast_in_dim3A_560 : vector<4x512x1024xi1>, vector<4x512x1024xf32>
    %reduce_min3A_562 = arith.constant dense<0x7F800000> : vector<4x1024xf32>
    %reduce_min3A_563 = vector.multi_reduction <minimumf>, %select_n3A_561, %reduce_min3A_562 [1] : vector<4x512x1024xf32> to vector<4x1024xf32>
    %convert_element_type3A_564 = arith.fptosi %reduce_min3A_563 : vector<4x1024xf32> to vector<4x1024xi32>
    %add3A_565 = arith.constant 6656 : i32
    %add3A_566 = vector.broadcast %add3A_565 : i32 to vector<4x1024xi32>
    %add3A_567 = arith.addi %convert_element_type3A_564, %add3A_566 : vector<4x1024xi32>
    %get3A_568 = arith.constant 0 : index
    %get3A_569 = arith.constant 0 : index
    %get3A_570 = vector.load %arg1[%get3A_568, %get3A_569] : memref<4x1024xf32, #tpu.memory_space<vmem>>, vector<4x1024xf32>
    %gt3A_571 = arith.cmpf ogt, %reduce_max3A_553, %get3A_570 : vector<4x1024xf32>
    %select_n3A_572 = arith.select %gt3A_571, %reduce_max3A_553, %get3A_570 : vector<4x1024xi1>, vector<4x1024xf32>
    %swap3A_573 = arith.constant 0 : index
    %swap3A_574 = arith.constant 0 : index
    %swap3A_575 = vector.load %arg1[%swap3A_573, %swap3A_574] : memref<4x1024xf32, #tpu.memory_space<vmem>>, vector<4x1024xf32>
    tpu.vector_store %arg1[%swap3A_573, %swap3A_574], %select_n3A_572 {strides = array<i32>} : memref<4x1024xf32, #tpu.memory_space<vmem>>, vector<4x1024xf32>,
    %get3A_576 = arith.constant 0 : index
    %get3A_577 = arith.constant 0 : index
    %get3A_578 = vector.load %arg2[%get3A_576, %get3A_577] : memref<4x1024xi32, #tpu.memory_space<vmem>>, vector<4x1024xi32>
    %select_n3A_579 = arith.select %gt3A_571, %add3A_567, %get3A_578 : vector<4x1024xi1>, vector<4x1024xi32>
    %swap3A_580 = arith.constant 0 : index
    %swap3A_581 = arith.constant 0 : index
    %swap3A_582 = vector.load %arg2[%swap3A_580, %swap3A_581] : memref<4x1024xi32, #tpu.memory_space<vmem>>, vector<4x1024xi32>
    tpu.vector_store %arg2[%swap3A_580, %swap3A_581], %select_n3A_579 {strides = array<i32>} : memref<4x1024xi32, #tpu.memory_space<vmem>>, vector<4x1024xi32>,
    %dma_start3A_583 = arith.constant 0 : i32
    %dma_start3A_584 = arith.constant 7680 : i32
    %dma_start3A_585 = arith.constant 0 : i32
    %dma_start3A_586 = tpu.memref_slice %arg0[%dma_start3A_583, %dma_start3A_584, %dma_start3A_585] : memref<4x8192x1024xf32, #tpu.memory_space<any>> -> memref<4x512x1024xf32, #tpu.memory_space<any>>
    tpu.enqueue_dma source(%dma_start3A_586 : memref<4x512x1024xf32, #tpu.memory_space<any>>) target(%arg4 : memref<4x512x1024xf32, #tpu.memory_space<vmem>>) target_semaphore(%arg6 : memref<!tpu.dma_semaphore, #tpu.memory_space<semaphore_mem>>)
    %dma_wait3A_587 = arith.constant 0 : i32
    %dma_wait3A_588 = arith.constant 7168 : i32
    %dma_wait3A_589 = arith.constant 0 : i32
    %dma_wait3A_590 = tpu.memref_slice %arg0[%dma_wait3A_587, %dma_wait3A_588, %dma_wait3A_589] : memref<4x8192x1024xf32, #tpu.memory_space<any>> -> memref<4x512x1024xf32, #tpu.memory_space<any>>
    tpu.wait_dma2 semaphore(%arg5 : memref<!tpu.dma_semaphore, #tpu.memory_space<semaphore_mem>>) src(%dma_wait3A_590 : memref<4x512x1024xf32, #tpu.memory_space<any>>) dst(%arg3 : memref<4x512x1024xf32, #tpu.memory_space<vmem>>)
    %get3A_591 = arith.constant 0 : index
    %get3A_592 = arith.constant 0 : index
    %get3A_593 = arith.constant 0 : index
    %get3A_594 = vector.load %arg3[%get3A_591, %get3A_592, %get3A_593] : memref<4x512x1024xf32, #tpu.memory_space<vmem>>, vector<4x512x1024xf32>
    %reduce_max3A_595 = arith.constant dense<0xFF800000> : vector<4x1024xf32>
    %reduce_max3A_596 = vector.multi_reduction <maximumf>, %get3A_594, %reduce_max3A_595 [1] : vector<4x512x1024xf32> to vector<4x1024xf32>
    %iota3A_597 = tpu.iota {dimensions = array<i32: 1>} : vector<4x512x1024xi32>
    %convert_element_type3A_598 = arith.sitofp %iota3A_597 : vector<4x512x1024xi32> to vector<4x512x1024xf32>
    %broadcast_in_dim3A_599 = vector.shape_cast %reduce_max3A_596 : vector<4x1024xf32> to vector<4x1x1024xf32>
    %eq3A_600 = vector.broadcast %broadcast_in_dim3A_599 : vector<4x1x1024xf32> to vector<4x512x1024xf32>
    %eq3A_601 = arith.cmpf oeq, %get3A_594, %eq3A_600 : vector<4x512x1024xf32>
    %jit3A_602 = arith.constant 5.120000e+02 : f32
    %broadcast_in_dim3A_603 = vector.broadcast %jit3A_602 : f32 to vector<4x512x1024xf32>
    %select_n3A_604 = arith.select %eq3A_601, %convert_element_type3A_598, %broadcast_in_dim3A_603 : vector<4x512x1024xi1>, vector<4x512x1024xf32>
    %reduce_min3A_605 = arith.constant dense<0x7F800000> : vector<4x1024xf32>
    %reduce_min3A_606 = vector.multi_reduction <minimumf>, %select_n3A_604, %reduce_min3A_605 [1] : vector<4x512x1024xf32> to vector<4x1024xf32>
    %convert_element_type3A_607 = arith.fptosi %reduce_min3A_606 : vector<4x1024xf32> to vector<4x1024xi32>
    %add3A_608 = arith.constant 7168 : i32
    %add3A_609 = vector.broadcast %add3A_608 : i32 to vector<4x1024xi32>
    %add3A_610 = arith.addi %convert_element_type3A_607, %add3A_609 : vector<4x1024xi32>
    %get3A_611 = arith.constant 0 : index
    %get3A_612 = arith.constant 0 : index
    %get3A_613 = vector.load %arg1[%get3A_611, %get3A_612] : memref<4x1024xf32, #tpu.memory_space<vmem>>, vector<4x1024xf32>
    %gt3A_614 = arith.cmpf ogt, %reduce_max3A_596, %get3A_613 : vector<4x1024xf32>
    %select_n3A_615 = arith.select %gt3A_614, %reduce_max3A_596, %get3A_613 : vector<4x1024xi1>, vector<4x1024xf32>
    %swap3A_616 = arith.constant 0 : index
    %swap3A_617 = arith.constant 0 : index
    %swap3A_618 = vector.load %arg1[%swap3A_616, %swap3A_617] : memref<4x1024xf32, #tpu.memory_space<vmem>>, vector<4x1024xf32>
    tpu.vector_store %arg1[%swap3A_616, %swap3A_617], %select_n3A_615 {strides = array<i32>} : memref<4x1024xf32, #tpu.memory_space<vmem>>, vector<4x1024xf32>,
    %get3A_619 = arith.constant 0 : index
    %get3A_620 = arith.constant 0 : index
    %get3A_621 = vector.load %arg2[%get3A_619, %get3A_620] : memref<4x1024xi32, #tpu.memory_space<vmem>>, vector<4x1024xi32>
    %select_n3A_622 = arith.select %gt3A_614, %add3A_610, %get3A_621 : vector<4x1024xi1>, vector<4x1024xi32>
    %swap3A_623 = arith.constant 0 : index
    %swap3A_624 = arith.constant 0 : index
    %swap3A_625 = vector.load %arg2[%swap3A_623, %swap3A_624] : memref<4x1024xi32, #tpu.memory_space<vmem>>, vector<4x1024xi32>
    tpu.vector_store %arg2[%swap3A_623, %swap3A_624], %select_n3A_622 {strides = array<i32>} : memref<4x1024xi32, #tpu.memory_space<vmem>>, vector<4x1024xi32>,
    %dma_wait3A_626 = arith.constant 0 : i32
    %dma_wait3A_627 = arith.constant 7680 : i32
    %dma_wait3A_628 = arith.constant 0 : i32
    %dma_wait3A_629 = tpu.memref_slice %arg0[%dma_wait3A_626, %dma_wait3A_627, %dma_wait3A_628] : memref<4x8192x1024xf32, #tpu.memory_space<any>> -> memref<4x512x1024xf32, #tpu.memory_space<any>>
    tpu.wait_dma2 semaphore(%arg6 : memref<!tpu.dma_semaphore, #tpu.memory_space<semaphore_mem>>) src(%dma_wait3A_629 : memref<4x512x1024xf32, #tpu.memory_space<any>>) dst(%arg4 : memref<4x512x1024xf32, #tpu.memory_space<vmem>>)
    %get3A_630 = arith.constant 0 : index
    %get3A_631 = arith.constant 0 : index
    %get3A_632 = arith.constant 0 : index
    %get3A_633 = vector.load %arg4[%get3A_630, %get3A_631, %get3A_632] : memref<4x512x1024xf32, #tpu.memory_space<vmem>>, vector<4x512x1024xf32>
    %reduce_max3A_634 = arith.constant dense<0xFF800000> : vector<4x1024xf32>
    %reduce_max3A_635 = vector.multi_reduction <maximumf>, %get3A_633, %reduce_max3A_634 [1] : vector<4x512x1024xf32> to vector<4x1024xf32>
    %iota3A_636 = tpu.iota {dimensions = array<i32: 1>} : vector<4x512x1024xi32>
    %convert_element_type3A_637 = arith.sitofp %iota3A_636 : vector<4x512x1024xi32> to vector<4x512x1024xf32>
    %broadcast_in_dim3A_638 = vector.shape_cast %reduce_max3A_635 : vector<4x1024xf32> to vector<4x1x1024xf32>
    %eq3A_639 = vector.broadcast %broadcast_in_dim3A_638 : vector<4x1x1024xf32> to vector<4x512x1024xf32>
    %eq3A_640 = arith.cmpf oeq, %get3A_633, %eq3A_639 : vector<4x512x1024xf32>
    %jit3A_641 = arith.constant 5.120000e+02 : f32
    %broadcast_in_dim3A_642 = vector.broadcast %jit3A_641 : f32 to vector<4x512x1024xf32>
    %select_n3A_643 = arith.select %eq3A_640, %convert_element_type3A_637, %broadcast_in_dim3A_642 : vector<4x512x1024xi1>, vector<4x512x1024xf32>
    %reduce_min3A_644 = arith.constant dense<0x7F800000> : vector<4x1024xf32>
    %reduce_min3A_645 = vector.multi_reduction <minimumf>, %select_n3A_643, %reduce_min3A_644 [1] : vector<4x512x1024xf32> to vector<4x1024xf32>
    %convert_element_type3A_646 = arith.fptosi %reduce_min3A_645 : vector<4x1024xf32> to vector<4x1024xi32>
    %add3A_647 = arith.constant 7680 : i32
    %add3A_648 = vector.broadcast %add3A_647 : i32 to vector<4x1024xi32>
    %add3A_649 = arith.addi %convert_element_type3A_646, %add3A_648 : vector<4x1024xi32>
    %get3A_650 = arith.constant 0 : index
    %get3A_651 = arith.constant 0 : index
    %get3A_652 = vector.load %arg1[%get3A_650, %get3A_651] : memref<4x1024xf32, #tpu.memory_space<vmem>>, vector<4x1024xf32>
    %gt3A_653 = arith.cmpf ogt, %reduce_max3A_635, %get3A_652 : vector<4x1024xf32>
    %select_n3A_654 = arith.select %gt3A_653, %reduce_max3A_635, %get3A_652 : vector<4x1024xi1>, vector<4x1024xf32>
    %swap3A_655 = arith.constant 0 : index
    %swap3A_656 = arith.constant 0 : index
    %swap3A_657 = vector.load %arg1[%swap3A_655, %swap3A_656] : memref<4x1024xf32, #tpu.memory_space<vmem>>, vector<4x1024xf32>
    tpu.vector_store %arg1[%swap3A_655, %swap3A_656], %select_n3A_654 {strides = array<i32>} : memref<4x1024xf32, #tpu.memory_space<vmem>>, vector<4x1024xf32>,
    %get3A_658 = arith.constant 0 : index
    %get3A_659 = arith.constant 0 : index
    %get3A_660 = vector.load %arg2[%get3A_658, %get3A_659] : memref<4x1024xi32, #tpu.memory_space<vmem>>, vector<4x1024xi32>
    %select_n3A_661 = arith.select %gt3A_653, %add3A_649, %get3A_660 : vector<4x1024xi1>, vector<4x1024xi32>
    %swap3A_662 = arith.constant 0 : index
    %swap3A_663 = arith.constant 0 : index
    %swap3A_664 = vector.load %arg2[%swap3A_662, %swap3A_663] : memref<4x1024xi32, #tpu.memory_space<vmem>>, vector<4x1024xi32>
    tpu.vector_store %arg2[%swap3A_662, %swap3A_663], %select_n3A_661 {strides = array<i32>} : memref<4x1024xi32, #tpu.memory_space<vmem>>, vector<4x1024xi32>,
    return
  }
}

</mosaic_0001>

<sc_bundles>
// kernel: kernel.4.cloned.1.call-start
scs
__scs_entry_jumppad:
0x0: {  	(pc) =	sbr.rel $0x88, $3  }
0x1: {  	(tag) =	ssettag $0x0;
	lr =	simm.s32 $0x1  }
0x2: {  	[smem:$0x3F9F] =	sst lr;
	_ =	strace $0xD0000000  }
0x3: {  	_ = 	snop  }
0x4: {  	_ = 	snop  }
0x5: {  	_ = 	snop  }
0x6: {  	_ = 	snop  }
0x7: {  	_ = 	snop  }
__scs_overlays_trampoline_lowered:
0x8: {  	[smem:$0x3FAE] =	sst s0  }
0x9: {  	[smem:$0x3FAF] =	sst s1  }
0xa: {  	[smem:$0x3FB0] =	sst s2  }
0xb: {  	[smem:$0x3FB1] =	sst s3  }
0xc: {  	[smem:$0x3FB2] =	sst s4  }
0xd: {  	[smem:$0x3FB3] =	sst s5  }
0xe: {  	[smem:$0x3FB4] =	sst s6  }
0xf: {  	[smem:$0x3FB5] =	sst s7  }
0x10: {  	[smem:$0x3FB6] =	sst s8  }
0x11: {  	[smem:$0x3FB7] =	sst s9;
	s0 =	simm.s32 @!p0 $0x0  }
0x12: {  	s1 =	sld [smem:$0x3F9D];
	s0 =	simm.s32 @p0 $0x1  }
0x13: {  	[smem:$0x3FB8] =	sst s0;
	s0 =	simm.s32 @!p1 $0x0  }
0x14: {  	s2 =	sld [smem:$0x3F9C];
	s0 =	simm.s32 @p1 $0x1  }
0x15: {  	[smem:$0x3FB9] =	sst s0;
	s0 =	simm.s32 @!p2 $0x0  }
0x16: {  	s3 =	sld [smem:$0x3FDB];
	s0 =	simm.s32 @p2 $0x1  }
0x17: {  	s4 =	simm.s32 $0x1BF5;
	[smem:$0x3FBB] =	sst s0  }
0x18: {  	s0 =	sld [smem:$0x3F9E];
	_ =	swait.ge [sflag:s4], $0x0  }
0x19: {  	s7 =	sld [smem:$0x3F9F]  }
0x1a: {  	s8 =	sadd.s32 $0xFFFFE003, lr  }
0x1b: {  	s9 =	sadd.s32 $0xFFFFFEF7, lr;
	s5 =	simm.s32 $0xFFFFFFFF;
	p2 =	slt.u32 s8, $0xFFFFF086  }
0x1c: {  	p1 =	slt.u32 s9, $0xF7A;
	s5 =	simm.s32 @!p2 $0x0  }
0x1d: {  	s5 =	simm.s32 @p1 $0x1;
	p0 =	seq.s32 s7, s2  }
0x1e: {  	s7 =	smul.u32 @!p0 $0xF7A, s2;
	p2 =	seq.s32 @!p0 s5, $0x0  }
0x1f: {  	s9 =	smul.u32 $0xF7A, s1;
	s8 =	simm.s32 @!p0 $0x1BF5;
	p2 =	por !p2, p0  }
0x20: {  	[sflag:s8] =	ssyncset.s32 @!p0 $0xFFFFF086;
	s6 =	sadd.s32 @!p0 s3, s7;
	s7 =	simm.s32 @!p0 $0x108  }
0x21: {  	s3 =	sadd.s32 s3, s9;
	s6 =	sadd.s32 @!p0 $0x88, s6;
	s7 =	simm.s32 @p2 $0x1082  }
0x22: {  	[simem:s7], [sflag:s8] =	dma.local @!p0 [hbm:s6], $0xF7A  }
0x23: {  	s9 =	sor.u32 $0xD0000000, s2;
	s6 =	simm.s32 $0x108;
	_ =	swait.ge @!p0 [sflag:s8], $0x0  }
0x24: {  	s3 =	sadd.s32 $0x88, s3;
	s6 =	simm.s32 @!p1 $0x1082;
	[sflag:s4] =	ssyncset.s32 $0xFFFFF086  }
0x25: {  	[simem:s6], [sflag:s4] =	dma.local [hbm:s3], $0xF7A  }
0x26: {  	[smem:$0x3F9F] =	sst s1;
	(tag) =	ssettag s2;
	_ =	strace s9  }
0x27: {  	s1 =	sld [smem:$0x3FAF]  }
0x28: {  	s2 =	sld [smem:$0x3FB0]  }
0x29: {  	s4 =	sld [smem:$0x3FB2]  }
0x2a: {  	p0 =	seq.s32 s5, $0x0;
	s5 =	sld [smem:$0x3FB3]  }
0x2b: {  	s6 =	sld [smem:$0x3FB4]  }
0x2c: {  	s7 =	sld [smem:$0x3FB5]  }
0x2d: {  	s3 =	simm.s32 $0x108;
	s8 =	sld [smem:$0x3FB6]  }
0x2e: {  	s3 =	simm.s32 @!p0 $0x1082;
	s9 =	sld [smem:$0x3FB7]  }
0x2f: {  	lr =	sadd.s32 s0, s3;
	s0 =	sld [smem:$0x3FAE]  }
0x30: {  	s3 =	sld [smem:$0x3FB1]  }
0x31: {  	[smem:$0x3FBA] =	sst s10  }
0x32: {  	s10 =	sld [smem:$0x3FB8];
	_ =	sdelay $0x3  }
0x33: {  	p0 =	seq.s32 s10, $0x1;
	s10 =	sld [smem:$0x3FBA];
	_ =	sdelay $0x3  }
0x34: {  	[smem:$0x3FBA] =	sst s10  }
0x35: {  	s10 =	sld [smem:$0x3FB9];
	_ =	sdelay $0x3  }
0x36: {  	p1 =	seq.s32 s10, $0x1;
	s10 =	sld [smem:$0x3FBA];
	_ =	sdelay $0x3  }
0x37: {  	[smem:$0x3FBA] =	sst s10  }
0x38: {  	s10 =	sld [smem:$0x3FBB]  }
0x39: {  	_ = 	snop;
	(pc) =	sbr.ind lr, $3  }
0x3a: {  	_ = 	snop  }
0x3b: {  	_ = 	snop  }
0x3c: {  	p2 =	seq.s32 s10, $0x1;
	s10 =	sld [smem:$0x3FBA]  }
0x3d: {  	_ =	shalt  }
0x3e: {  	_ =	shalt  }
0x3f: {  	_ =	shalt  }
0x40: {  	_ =	shalt  }
0x41: {  	_ =	shalt  }
0x42: {  	_ =	shalt  }
0x43: {  	_ =	shalt  }
0x44: {  	_ =	shalt  }
0x45: {  	_ =	shalt  }
0x46: {  	_ =	shalt  }
0x47: {  	_ =	shalt  }
0x48: {  	_ =	shalt  }
0x49: {  	_ =	shalt  }
0x4a: {  	_ =	shalt  }
0x4b: {  	_ =	shalt  }
0x4c: {  	_ =	shalt  }
0x4d: {  	_ =	shalt  }
0x4e: {  	_ =	shalt  }
0x4f: {  	_ =	shalt  }
0x50: {  	_ =	shalt  }
0x51: {  	_ =	shalt  }
0x52: {  	_ =	shalt  }
0x53: {  	_ =	shalt  }
0x54: {  	_ =	shalt  }
0x55: {  	_ =	shalt  }
0x56: {  	_ =	shalt  }
0x57: {  	_ =	shalt  }
0x58: {  	_ =	shalt  }
0x59: {  	_ =	shalt  }
0x5a: {  	_ =	shalt  }
0x5b: {  	_ =	shalt  }
0x5c: {  	_ =	shalt  }
0x5d: {  	_ =	shalt  }
0x5e: {  	_ =	shalt  }
0x5f: {  	_ =	shalt  }
0x60: {  	_ =	shalt  }
0x61: {  	_ =	shalt  }
0x62: {  	_ =	shalt  }
0x63: {  	_ =	shalt  }
0x64: {  	_ =	shalt  }
0x65: {  	_ =	shalt  }
0x66: {  	_ =	shalt  }
0x67: {  	_ =	shalt  }
0x68: {  	_ =	shalt  }
0x69: {  	_ =	shalt  }
0x6a: {  	_ =	shalt  }
0x6b: {  	_ =	shalt  }
0x6c: {  	_ =	shalt  }
0x6d: {  	_ =	shalt  }
0x6e: {  	_ =	shalt  }
0x6f: {  	_ =	shalt  }
0x70: {  	_ =	shalt  }
0x71: {  	_ =	shalt  }
0x72: {  	_ =	shalt  }
0x73: {  	_ =	shalt  }
0x74: {  	_ =	shalt  }
0x75: {  	_ =	shalt  }
0x76: {  	_ =	shalt  }
0x77: {  	_ =	shalt  }
0x78: {  	_ =	shalt  }
0x79: {  	_ =	shalt  }
0x7a: {  	_ =	shalt  }
0x7b: {  	_ =	shalt  }
0x7c: {  	_ =	shalt  }
0x7d: {  	_ =	shalt  }
0x7e: {  	_ =	shalt  }
0x7f: {  	_ =	shalt  }
0x80: {  	_ =	shalt  }
0x81: {  	_ =	shalt  }
0x82: {  	_ =	shalt  }
0x83: {  	_ =	shalt  }
0x84: {  	_ =	shalt  }
0x85: {  	_ =	shalt  }
0x86: {  	_ =	shalt  }
0x87: {  	_ =	shalt  }
.Lfunc_end0:
.L_simem_size_0:
called_computation_lowered:
.L_overlay_start_0:
0x88: {  	s2 =	sld [smem:$0x3FD9]  }
0x89: {  	s3 =	sld [smem:$0x3FFE];
	_ =	sdelay $0x1  }
0x8a: {  	s1 =	srdreg.scid  }
0x8b: {  	s0 =	sand.u32 $0x1, s1  }
0x8c: {  	s14 =	sshll.u32 s0, $0xA;
	s2 =	sadd.s32 s3, s2  }
0x8d: {  	s2 =	sadd.s32 s2, s14  }
0x8e: {  	[smem:$0x3FC6] =	sst s2  }
0x8f: {  	_ = 	snop  }
0x90: {  	s2 =	sld [smem:$0x3FD0];
	_ =	sdelay $0x2  }
0x91: {  	s4 =	simm.s32 $0xA;
	s5 =	simm.s32 $0x10;
	s15 =	sld [smem:$0x3FC8]  }
0x92: {  	[smem:s5], [sflag:s4] =	dma.local [hbm:s2], $0x1  }
0x93: {  	_ =	swait.eq [sflag:s4], $0x1  }
0x94: {  	[sflag:s4] =	ssyncset.done $0x0  }
0x95: {  	[sflag:s4] =	ssyncadd.s32 $0xFFFFFFFF  }
0x96: {  	s16 =	sld [smem:$0x10];
	(tm) =	ssettm $0x1  }
0x97: {  	s17 =	sld [smem:$0x3FFB];
	_ =	sdelay $0x3  }
0x98: {  	_ =	strace s17  }
0x99: {  	s4 =	sld [smem:$0x3FFC];
	_ =	sdelay $0x3  }
0x9a: {  	_ =	strace s4  }
0x9b: {  	s4 =	sld [smem:$0x3FFD];
	_ =	sdelay $0x3  }
0x9c: {  	_ =	strace s4  }
0x9d: {  	_ =	strace $0x8FFFFFFF  }
0x9e: {  	s18 =	sld [smem:$0x3FDB];
	_ =	sdelay $0x1  }
0x9f: {  	s19 =	simm.s32 $_scs_section_size  }
0xa0: {  	s6 =	simm.s32 $_size__tile_overlayer_lowered;
	s7 =	simm.s32 $_tile_overlayer_lowered  }
0xa1: {  	s22 =	simm.s32 $0x1BFF;
	s21 =	sshll.u32 s7, $0x1;
	s4 =	sadd.s32 s19, s18  }
0xa2: {  	s8 =	simm.s32 $0x0;
	s20 =	sshll.u32 s6, $0x1;
	s6 =	sadd.s32 s21, s4  }
0xa3: {  	[timem:s8], [sflag:s22] =	dma.local [hbm:s6], s20  }
0xa4: {  	_ =	swait.ge [sflag:s22], s20  }
0xa5: {  	s5 =	ssub.s32 $0x0, s20;
	[sflag:s22] =	ssyncset.done $0x0  }
0xa6: {  	[sflag:s22] =	ssyncadd.s32 s5;
	_ =	sdelay $0x1  }
0xa7: {  	s23 =	simm.s32 $0x1B8B  }
0xa8: {  	_ =	swait.ge [sflag:s23], $0x1  }
0xa9: {  	[sflag:s23] =	ssyncset.done $0x0  }
0xaa: {  	s25 =	simm.s32 $0x1B8E;
	s24 =	sld [smem:$0x3FFE];
	[sflag:s23] =	ssyncadd.s32 $0xFFFFFFFF  }
0xab: {  	s26 =	simm.s32 $execute0_lowered;
	[smem:$0x3FD2] =	sst s25  }
0xac: {  	s6 =	sshll.u32 s26, $0x1;
	_ =	strace $0x80000046;
	[dreg:$0x1] =	wrdreg $0xFFFFFFFF  }
0xad: {  	s28 =	simm.s32 $_size_execute0_lowered;
	s4 =	sadd.s32 s4, s6;
	[dreg:$0x0] =	wrdreg $0x0  }
0xae: {  	s6 =	sshll.u32 s28, $0x1;
	[dreg:$0x2] =	wrdreg s4  }
0xaf: {  	[dreg:$0x3] =	wrdreg s6  }
0xb0: {  	[dreg:$0x4] =	wrdreg $0xC0  }
0xb1: {  	_ =	task [dreg:s8], $0x5FFFF  }
0xb2: {  	[dreg:$0x1] =	wrdreg $0xFFFFFFFF  }
0xb3: {  	[dreg:$0x0] =	wrdreg $0x60  }
0xb4: {  	[dreg:$0x2] =	wrdreg s24  }
0xb5: {  	[dreg:$0x3] =	wrdreg s15  }
0xb6: {  	[dreg:$0x4] =	wrdreg s16  }
0xb7: {  	[dreg:$0x5] =	wrdreg $0x9  }
0xb8: {  	_ =	task.clear_ibuf [dreg:s8], $0x6FFFF;
	_ =	strace $0x90000046  }
0xb9: {  	s29 =	simm.s32 $0x9;
	_ =	strace $0x80000048  }
0xba: {  	_ =	swait.ge [sflag:s29], $0x1  }
0xbb: {  	[sflag:s29] =	ssyncadd.s32 $0xFFFFFFFF  }
0xbc: {  	_ =	strace $0x90000048  }
0xbd: {  	_ =	sfence  }
0xbe: {  	s30 =	sld [smem:$0x0];
	_ =	sdelay $0x2  }
0xbf: {  	s31 =	sshll.u32 s1, $0xD;
	s1 =	sshrl.u32 s1, $0x2  }
0xc0: {  	s3 =	sand.u32 $0x4000, s31;
	s1 =	sadd.s32 s1, s30  }
0xc1: {  	s0 =	sor.u32 s3, s0;
	s1 =	sshll.u32 s1, $0x11  }
0xc2: {  	s0 =	sor.u32 s1, s0  }
0xc3: {  	s0 =	sadd.s32 $0x8F2B, s0  }
0xc4: {  	[sflag:s0] =	ssyncadd.remote.s32 $0x1  }
0xc5: {  	_ =	sfence.sel $0xFFFF  }
0xc6: {  	[dreg:$0x0] =	wrdreg $0xFFFFFFFF;
	(pc) =	sbr.abs _section_cstart, $3  }
0xc7: {  	[dreg:$0x1] =	wrdreg $0xFFFFFFFF  }
0xc8: {  	_ =	task.clear_ibuf [dreg:s8], $0x2FFFF;
	_ =	strace $0x9FFFFFFF  }
0xc9: {  	(tm) =	ssettm $0x7FFFFFFF  }
tec
execute0_lowered:
.L_overlay_start_1:
0x0: {  	(tag) =	ssettag $0x1  }
0x1: {  	s3 =	rddreg [dreg:$0x0]  }
0x2: {  	s4 =	rddreg [dreg:$0x1]  }
0x3: {  	s6 =	rddreg [dreg:$0x2]  }
0x4: {  	s0 =	rddreg [dreg:$0x3];
	s5 =	srdreg.scid  }
0x5: {  	s1 =	stileid.u32;
	s2 =	simm.s32 $0x0;
	s13 =	simm.s32 $0x0  }
0x6: {  	s5 =	sand.u32 $0x1, s5;
	s7 =	sshll.u32 s1, $0x4;
	[smem:$0x7FF] =	sst s2  }
0x7: {  	s9 =	sand.u32 $0x7, s1;
	s8 =	sshll.u32 s5, $0x8;
	s7 =	sand.u32 $0x80, s7  }
0x8: {  	_ =	strace $0x80000047;
	s5 =	ssub.s32 $0x2, s5;
	s11 =	sshll.u32 s9, $0xC  }
0x9: {  	s12 =	sshll.u32 s9, $0xA;
	s7 =	sor.u32 s8, s7;
	s10 =	sshrl.u32 s5, $0x1  }
0xa: {  	s9 =	simm.s32 $0x200;
	s8 =	sshrl.u32 s7, $0x3;
	s10 =	ssub.s32 s5, s10  }
0xb: {  	s31 =	sor.u32 s11, s7;
	s5 =	sadd.s32 $0x400, s12;
	s11 =	simm.s32 $0x400  }
0xc: {  	v0 =	vmov s12;
	s12 =	simm.s32 $0x2400;
	s3 =	sadd.s32 s8, s3;
	s4 =	sadd.s32 s4, s8  }
0xd: {  	s7 =	sshrl.u32 s31, $0x3;
	s8 =	simm.s32 $0x80;
	s3 =	sadd.s32 $0x800, s3  }
0xe: {  	v1 =	vimm.f32 $0.0e+00;
	s6 =	sadd.s32 s6, s7;
	s7 =	smax.u32 s10, $0x1;
	s10 =	simm.s32 $0x1  }
.LBB2_1:
0xf: {  	[tilespmem:s2], [sflag:$0x1] =	stream.strided.gather [hbm4b:s3+s8], $0x400, s9, s8, $0x38;
	[tilespmem:$0x2800] =	vst v63  }
0x10: {  	_ =	swait.ge [sflag:s10], $0x400  }
0x11: {  	[sflag:s10] =	ssyncset.done $0x0  }
0x12: {  	[sflag:s10] =	ssyncadd.s32 $0xFFFFFC00  }
0x13: {  	[tilespmem:s11], [sflag:$0x1] =	stream.strided.gather [hbm4b:s4+s8], $0x2000, s9, s8, $0x38;
	[tilespmem:$0x2800] =	vst v63  }
0x14: {  	_ =	swait.ge [sflag:s10], $0x2000  }
0x15: {  	[sflag:s10] =	ssyncset.done $0x0  }
0x16: {  	s14 =	simm.s32 $0x40;
	s15 =	simm.s32 $0x0;
	[sflag:s10] =	ssyncadd.s32 $0xFFFFE000  }
.LBB2_2:
0x17: {  	p0 =	sne.s32 s14, $0xFC0;
	[tilespmem:s15+$0x2400] =	vst v1;
	s15 =	smov.u32 s14;
	s14 =	sadd.s32 $0x40, s14  }
.Ltmp0:
0x18: {  	(pc) =	sbr.rel @p0 .LBB2_2-.Ltmp0, $2  }
0x19: {  	_ =	sdelay $0x2  }
0x1a: {  	s15 =	sshra.s32 s15, $0x2  }
0x1b: {  	[tilespmem:s15+$0x2400] =	vst v1;
	s14 =	simm.s32 $0x0  }
.LBB2_4:
0x1c: {  	s15 =	sshra.s32 s14, $0x2  }
0x1d: {  	v2 =	vld [tilespmem:s15+$0x0];
	_ =	sdelay $0x4  }
0x1e: {  	v2 =	vsub.s32 v2, v0  }
0x1f: {  	vm0 =	vgt.s32 v2, $0x0  }
0x20: {  	v3 =	vnsel vm0, $0x0, v2  }
0x21: {  	vm15 =	vlt.u32 v2, $0x400;
	v2 =	vmin.u32 v3, $0x3FF  }
0x22: {  	(xrf1) =	vunique.msk.u32 vm15, v2;
	_ =	sdelay $0xd  }
0x23: {  	_, v3, vm1 =	vpop (xrf1)  }
0x24: {  	vm0 =	vmand vm15, vm1  }
0x25: {  	p0 =	sne.s32 s14, $0xFC0  }
.Ltmp1:
0x26: {  	_ = 	snop;
	(pc) =	sbr.rel @p0 .LBB2_4-.Ltmp1, $3  }
0x27: {  	_ = 	snop  }
0x28: {  	v3 =	vcvt.s32.f32 v3;
	_ =	sdelay $0x1  }
0x29: {  	s14 =	sadd.s32 $0x40, s14;
	[tilespmem:v2+s12+$0x0] =	vst.idx.add.f32.msk vm0, v3  }
0x2a: {  	s14 =	simm.s32 $0x0  }
0x2b: {  	v3 =	vld [tilespmem:s14+$0x0];
	_ =	sdelay $0x7  }
0x2c: {  	v2 =	vimm.s32 $0x0;
	s15 =	simm.s32 $0x10;
	s14 =	simm.s32 $0x80;
	v3 =	vld.idx.msk [tilespmem:v3+s11+$0x0], $0xffff  }
.LBB2_6:
0x2d: {  	p0 =	sne.s32 s14, $0xFC0;
	v4 =	vld [tilespmem:s15+$0x0];
	_ =	sdelay $0x3  }
.Ltmp2:
0x2e: {  	(pc) =	sbr.rel @p0 .LBB2_6-.Ltmp2, $2  }
0x2f: {  	v2 =	vadd.s32 v2, v3;
	_ =	sdelay $0x2  }
0x30: {  	s15 =	sshra.s32 s14, $0x2;
	s14 =	sadd.s32 $0x40, s14;
	v3 =	vld.idx.msk [tilespmem:v4+s11+$0x0], $0xffff  }
0x31: {  	v4 =	vld [tilespmem:s15+$0x0];
	_ =	sdelay $0x7  }
0x32: {  	v4 =	vld.idx.msk [tilespmem:v4+s11+$0x0], $0xffff;
	_ =	sdelay $0x3  }
0x33: {  	v2 =	vadd.s32 v2, v3  }
0x34: {  	v2 =	vadd.s32 v2, v4  }
0x35: {  	(xrf0) =	vadd.scan.msk.s32 $0xffff, v2;
	_ =	sdelay $0x5  }
0x36: {  	v2, _, _ =	vpop (xrf0)  }
0x37: {  	(v2sf) =	vpush v2, $0xF;
	_ =	sdelay $0xe  }
0x38: {  	s14 =	spop (v2sf)  }
0x39: {  	s14 =	scvt.s32.f32 s14;
	_ =	sdelay $0x1  }
0x3a: {  	s30 =	simm.s32 $0x0;
	v2 =	vmov s14  }
0x3b: {  	s31 =	sand.u32 $0x380, s30;
	(erf) = vrcp.f32 v2  }
0x3c: {  	s15 =	sadd.s32 s31, s5;
	s14 =	sand.u32 $0x70, s30  }
0x3d: {  	s15 =	sadd.s32 s14, s15  }
0x3e: {  	s14 =	simm.s32 $0x2400;
	v2 =	vld [tilespmem:s15+$0x0]  }
0x3f: {  	v3 =	vld [tilespmem:s14+$0x0];
	_ =	sdelay $0x3  }
0x40: {  	vm0 =	veq.s32 v2, $0x0  }
0x41: {  	s16 =	simm.s32 $0x10;
	v3 =	vsel vm0, $0x0, v3;
	v2 =	vpop (erf)  }
0x42: {  	s17 =	sand.u32 $0x380, s16;
	s15 =	simm.s32 $0x20;
	v3 =	vmul.f32 v3, v2  }
.LBB2_8:
0x43: {  	p0 =	sne.s32 s15, $0x3F0;
	s16 =	sand.u32 $0x70, s16;
	s17 =	sadd.s32 s17, s5  }
0x44: {  	s17 =	sadd.s32 s16, s17;
	[tilespmem:s14+$0x0] =	vst v3;
	s16 =	smov.u32 s15  }
0x45: {  	s14 =	sadd.s32 $0x10, s14;
	v3 =	vld [tilespmem:s17+$0x0]  }
0x46: {  	v4 =	vld [tilespmem:s14+$0x0];
	_ =	sdelay $0x1  }
.Ltmp3:
0x47: {  	(pc) =	sbr.rel @p0 .LBB2_8-.Ltmp3, $4  }
0x48: {  	_ = 	snop  }
0x49: {  	vm0 =	veq.s32 v3, $0x0  }
0x4a: {  	v3 =	vsel vm0, $0x0, v4  }
0x4b: {  	s15 =	sadd.s32 $0x10, s15;
	s17 =	sand.u32 $0x380, s16;
	v3 =	vmul.f32 v3, v2  }
0x4c: {  	s15 =	sand.u32 $0x70, s16;
	s30 =	sadd.s32 s17, s5  }
0x4d: {  	s15 =	sadd.s32 s15, s30;
	[tilespmem:s14+$0x0] =	vst v3  }
0x4e: {  	s31 =	sadd.s32 $0x10, s14;
	v3 =	vld [tilespmem:s15+$0x0]  }
0x4f: {  	v4 =	vld [tilespmem:s31+$0x0];
	_ =	sdelay $0x3  }
0x50: {  	vm0 =	veq.s32 v3, $0x0  }
0x51: {  	v3 =	vsel vm0, $0x0, v4  }
0x52: {  	s13 =	sadd.s32 $0x1, s13;
	v2 =	vmul.f32 v3, v2  }
0x53: {  	p0 =	sne.s32 s13, s7  }
.Ltmp4:
0x54: {  	[tilespmem:s31+$0x0] =	vst v2;
	(pc) =	sbr.rel @p0 .LBB2_1-.Ltmp4, $4  }
0x55: {  	[hbm4b:s6+s8] =	stream.strided.scatter [tilespmem:s12], [sflag:$0x1], $0x400, s9, s8, $0x38;
	[tilespmem:$0x2800] =	vst v63  }
0x56: {  	_ =	swait.ge [sflag:s10], $0x400  }
0x57: {  	[sflag:s10] =	ssyncset.done $0x0  }
0x58: {  	[sflag:s10] =	ssyncadd.s32 $0xFFFFFC00  }
0x59: {  	_ =	sfence.sel $0x180000  }
0x5a: {  	[bflag:$0x0] =	sbarrier.arrive $0xFFFF  }
0x5b: {  	p0 =	sne.s32 s1, $0x0;
	_ =	strace $0x90000047  }
0x5c: {  	s0 =	sadd.s32 @!p0 $0x100000, s0;
	[bflag:$0x2] =	sbarrier.arrive $0xFFFF  }
0x5d: {  	[sflag:s0] =	ssyncadd.tile.s32 @!p0 $0x1;
	_ =	shalt  }
.Lfunc_end2:
_tile_overlayer_lowered:
.L_overlay_start_2:
0x5e: {  	(tag) =	ssettag $0x2  }
0x5f: {  	s0 =	rddreg [dreg:$0x0];
	s2 =	stileid.u32  }
0x60: {  	s1 =	rddreg [dreg:$0x1];
	p0 =	sne.s32 s2, $0x0  }
0x61: {  	s3 =	rddreg [dreg:$0x2];
	[bflag:$0x3] =	sbarrier.arrive $0xFFFF;
	s2 =	simm.s32 @!p0 $0x1C01  }
0x62: {  	[timem:s3], [sflag:s2] =	dma.local @!p0 [hbm:s0], s1  }
0x63: {  	s0 =	simm.s32 @!p0 $0x1  }
0x64: {  	_ =	swait.ge @!p0 [sflag:s0], s1  }
0x65: {  	s1 =	ssub.s32 @!p0 $0x0, s1;
	[sflag:s0] =	ssyncset.done @!p0 $0x0  }
0x66: {  	[sflag:s0] =	ssyncadd.s32 @!p0 s1  }
0x67: {  	[bflag:$0x3] =	sbarrier.arrive $0xFFFF  }
0x68: {  	_ =	shalt  }

</sc_bundles>
